<compile_context>
chip_gen: v7x
topology: tpu7x:2x2x1
jax: 0.10.2.dev20260603
libtpu: 0.0.44.dev20260713+nightly
codegen_flags: <defaults>
</compile_context>

<pallas_src>
import functools

import jax
import jax.numpy as jnp
from jax import lax
from jax.experimental import pallas as pl
from jax.experimental.pallas import tpu as pltpu
from jax.experimental.pallas import tpu_sc as plsc

B = 16384
D = 64
NC = 2
NS = 16
NW = NC * NS
BW = B // NW
CHUNK = 128
NCH = BW // CHUNK


def _sc_body(user_hbm, item_hbm, rel_hbm, head_hbm, relidx_hbm, tail_hbm,
             out_hbm, hidx_v, ridx_v, tidx_v, hrow_v, rrow_v, trow_v,
             out_v, sem):
  wid = lax.axis_index("s") * NC + lax.axis_index("c")
  base = wid * BW

  for j in range(NCH):
    off = base + j * CHUNK
    pltpu.sync_copy(head_hbm.at[pl.ds(off, CHUNK)], hidx_v.at[j])
    pltpu.sync_copy(relidx_hbm.at[pl.ds(off, CHUNK)], ridx_v.at[j])
    pltpu.sync_copy(tail_hbm.at[pl.ds(off, CHUNK)], tidx_v.at[j])

  copies = []
  for j in range(NCH):
    dst = pl.ds(j * CHUNK, CHUNK)
    copies.append(pltpu.async_copy(user_hbm.at[hidx_v.at[j]],
                                   hrow_v.at[dst], sem))
    copies.append(pltpu.async_copy(rel_hbm.at[ridx_v.at[j]],
                                   rrow_v.at[dst], sem))
    copies.append(pltpu.async_copy(item_hbm.at[tidx_v.at[j]],
                                   trow_v.at[dst], sem))
  for c in copies:
    c.wait()

  lane = lax.iota(jnp.int32, 16)

  def grp(g, _):
    rows = g * 16 + lane

    def dstep(d, acc):
      cols = jnp.full((16,), d, jnp.int32)
      h = plsc.load_gather(hrow_v, [rows, cols])
      r = plsc.load_gather(rrow_v, [rows, cols])
      t = plsc.load_gather(trow_v, [rows, cols])
      return acc + jnp.abs(h + r - t)

    acc = lax.fori_loop(0, D, dstep, jnp.zeros((16,), jnp.float32))
    out_v[pl.ds(g * 16, 16)] = -acc
    return _

  lax.fori_loop(0, BW // 16, grp, None)

  pltpu.sync_copy(out_v, out_hbm.at[pl.ds(base, BW)])


@functools.partial(jax.jit, donate_argnums=())
def kernel(user_table, item_table, rel_table, head_idx, relation_idx,
           tail_idx):
  mesh = plsc.VectorSubcoreMesh(core_axis_name="c", subcore_axis_name="s")
  scores = pl.kernel(
      _sc_body,
      out_type=jax.ShapeDtypeStruct((B,), jnp.float32),
      mesh=mesh,
      compiler_params=pltpu.CompilerParams(
          needs_layout_passes=False, use_tc_tiling_on_sc=False),
      scratch_types=[
          pltpu.VMEM((NCH, CHUNK), jnp.int32),
          pltpu.VMEM((NCH, CHUNK), jnp.int32),
          pltpu.VMEM((NCH, CHUNK), jnp.int32),
          pltpu.VMEM((BW, D), jnp.float32),
          pltpu.VMEM((BW, D), jnp.float32),
          pltpu.VMEM((BW, D), jnp.float32),
          pltpu.VMEM((BW,), jnp.float32),
          pltpu.SemaphoreType.DMA,
      ],
  )(user_table, item_table, rel_table,
    head_idx.astype(jnp.int32), relation_idx.astype(jnp.int32),
    tail_idx.astype(jnp.int32))
  return scores

# --- scband reference (transcript-rebuilt; emitter-appended) ---
"""Pipeline reference for scband-base-kgemodel-38259568673206 (READ-ONLY COPY).

The authoritative reference and input builder live on the scoring server;
editing this copy changes nothing except your own understanding.
"""

import jax, jax.numpy as jnp
import numpy as np

NUM_USERS = 1000000
NUM_ITEMS = 1000000
NUM_RELATIONS = 1000
EMB_DIM = 64
BATCH = 16384

def _xavier_uniform(key, shape):
    fan_in, fan_out = shape[0], shape[1]
    limit = float(np.sqrt(6.0 / (fan_in + fan_out)))
    return jax.random.uniform(key, shape, dtype=jnp.float32, minval=-limit, maxval=limit)

def setup_inputs(seed: int = 0) -> dict:
    key = jax.random.key(seed)
    k1, k2, k3, k4, k5, k6 = jax.random.split(key, 6)
    user_table = _xavier_uniform(k1, (NUM_USERS, EMB_DIM))
    item_table = _xavier_uniform(k2, (NUM_ITEMS, EMB_DIM))
    rel_table = _xavier_uniform(k3, (NUM_RELATIONS, EMB_DIM))
    head_idx = jax.random.randint(k4, (BATCH,), 0, NUM_USERS, dtype=jnp.int64 if jax.config.jax_enable_x64 else jnp.int32)
    relation_idx = jax.random.randint(k5, (BATCH,), 0, NUM_RELATIONS, dtype=jnp.int64 if jax.config.jax_enable_x64 else jnp.int32)
    tail_idx = jax.random.randint(k6, (BATCH,), 0, NUM_ITEMS, dtype=jnp.int64 if jax.config.jax_enable_x64 else jnp.int32)
    return {
        "user_table": user_table,
        "item_table": item_table,
        "rel_table": rel_table,
        "head_idx": head_idx,
        "relation_idx": relation_idx,
        "tail_idx": tail_idx,
    }

def reference(user_table, item_table, rel_table, head_idx, relation_idx, tail_idx):
    # score_triples path: forward() returns the embedding tables per node type
    # (identity forward, standard for shallow KGE models), then gather and score.
    head_emb = jnp.take(user_table, head_idx, axis=0)      # [B, D]
    tail_emb = jnp.take(item_table, tail_idx, axis=0)      # [B, D]
    rel_emb = jnp.take(rel_table, relation_idx, axis=0)    # [B, D]
    # TransE scoring: -||h + r - t||_1  -> [B]
    scores = -jnp.sum(jnp.abs(head_emb + rel_emb - tail_emb), axis=-1)
    return scores

if __name__ == "__main__":
    import jax
    _d = setup_inputs()
    print(jax.jit(kernel)(*tuple(_d.values())))

</pallas_src>

<mosaic_0001>
#map = affine_map<(d0, d1) -> (0, 0)>
#map1 = affine_map<(d0, d1) -> (0)>
module attributes {stable_mosaic.version = 14 : i64} {
  func.func @_sc_body(%arg0: i32, %arg1: i32, %arg2: memref<1000000x64xf32, #tpu.memory_space<hbm>>, %arg3: memref<1000000x64xf32, #tpu.memory_space<hbm>>, %arg4: memref<1000x64xf32, #tpu.memory_space<hbm>>, %arg5: memref<16384xi32, #tpu.memory_space<hbm>>, %arg6: memref<16384xi32, #tpu.memory_space<hbm>>, %arg7: memref<16384xi32, #tpu.memory_space<hbm>>, %arg8: memref<16384xf32, #tpu.memory_space<hbm>>, %arg9: memref<4x128xi32, #tpu.memory_space<vmem>>, %arg10: memref<4x128xi32, #tpu.memory_space<vmem>>, %arg11: memref<4x128xi32, #tpu.memory_space<vmem>>, %arg12: memref<512x64xf32, #tpu.memory_space<vmem>>, %arg13: memref<512x64xf32, #tpu.memory_space<vmem>>, %arg14: memref<512x64xf32, #tpu.memory_space<vmem>>, %arg15: memref<512xf32, #tpu.memory_space<vmem>>, %arg16: memref<!tpu.dma_semaphore, #tpu.memory_space<semaphore_mem>>) attributes {dimension_semantics = [#tpu.dimension_semantics<core_parallel>, #tpu.dimension_semantics<subcore_parallel>], iteration_bounds = array<i64: 2, 16>, scalar_prefetch = 0 : i64, scratch_operands = 8 : i64, tpu.core_type = #tpu.core_type<sc_vector_subcore>, window_params = [{transform_indices = #map}, {transform_indices = #map}, {transform_indices = #map}, {transform_indices = #map1}, {transform_indices = #map1}, {transform_indices = #map1}, {transform_indices = #map1}]} {
    %mul3A = arith.constant 2 : i32
    %mul3A_0 = arith.muli %arg1, %mul3A : i32
    %add3A = arith.addi %mul3A_0, %arg0 : i32
    %mul3A_1 = arith.constant 512 : i32
    %mul3A_2 = arith.muli %add3A, %mul3A_1 : i32
    %add3A_3 = arith.constant 0 : i32
    %add3A_4 = arith.addi %mul3A_2, %add3A_3 : i32
    %run_scoped3A = arith.constant 0 : i32
    "tpu.region"() ({
      %run_scoped3A_264 = tpu.sem_alloc : memref<!tpu.dma_semaphore, #tpu.memory_space<semaphore_mem>>
      %dma_start3A_265 = arith.constant 0 : i32
      %dma_start3A_266 = tpu.memref_slice %arg9[%run_scoped3A, %dma_start3A_265] : memref<4x128xi32, #tpu.memory_space<vmem>> -> memref<1x128xi32, #tpu.memory_space<vmem>>
      %dma_start3A_267 = tpu.memref_squeeze %dma_start3A_266 : memref<1x128xi32, #tpu.memory_space<vmem>> -> memref<128xi32, #tpu.memory_space<vmem>>
      %dma_start3A_268 = tpu.memref_slice %arg5[%add3A_4] : memref<16384xi32, #tpu.memory_space<hbm>> -> memref<128xi32, #tpu.memory_space<hbm>>
      %dma_start3A_269 = arith.constant 0 : i32
      %dma_start3A_270 = tpu.memref_slice %arg9[%run_scoped3A, %dma_start3A_269] : memref<4x128xi32, #tpu.memory_space<vmem>> -> memref<1x128xi32, #tpu.memory_space<vmem>>
      %dma_start3A_271 = tpu.memref_squeeze %dma_start3A_270 : memref<1x128xi32, #tpu.memory_space<vmem>> -> memref<128xi32, #tpu.memory_space<vmem>>
      %dma_start3A_272 = tpu.memref_slice %arg5[%add3A_4] : memref<16384xi32, #tpu.memory_space<hbm>> -> memref<128xi32, #tpu.memory_space<hbm>>
      tpu.enqueue_dma source(%dma_start3A_272 : memref<128xi32, #tpu.memory_space<hbm>>) target(%dma_start3A_271 : memref<128xi32, #tpu.memory_space<vmem>>) target_semaphore(%run_scoped3A_264 : memref<!tpu.dma_semaphore, #tpu.memory_space<semaphore_mem>>)
      %dma_wait3A_273 = arith.constant 0 : i32
      %dma_wait3A_274 = tpu.memref_slice %arg9[%run_scoped3A, %dma_wait3A_273] : memref<4x128xi32, #tpu.memory_space<vmem>> -> memref<1x128xi32, #tpu.memory_space<vmem>>
      %dma_wait3A_275 = tpu.memref_squeeze %dma_wait3A_274 : memref<1x128xi32, #tpu.memory_space<vmem>> -> memref<128xi32, #tpu.memory_space<vmem>>
      %dma_wait3A_276 = tpu.memref_slice %arg5[%add3A_4] : memref<16384xi32, #tpu.memory_space<hbm>> -> memref<128xi32, #tpu.memory_space<hbm>>
      %dma_wait3A_277 = arith.constant 0 : i32
      %dma_wait3A_278 = tpu.memref_slice %arg9[%run_scoped3A, %dma_wait3A_277] : memref<4x128xi32, #tpu.memory_space<vmem>> -> memref<1x128xi32, #tpu.memory_space<vmem>>
      %dma_wait3A_279 = tpu.memref_squeeze %dma_wait3A_278 : memref<1x128xi32, #tpu.memory_space<vmem>> -> memref<128xi32, #tpu.memory_space<vmem>>
      %dma_wait3A_280 = tpu.memref_slice %arg5[%add3A_4] : memref<16384xi32, #tpu.memory_space<hbm>> -> memref<128xi32, #tpu.memory_space<hbm>>
      tpu.wait_dma2 semaphore(%run_scoped3A_264 : memref<!tpu.dma_semaphore, #tpu.memory_space<semaphore_mem>>) src(%dma_wait3A_280 : memref<128xi32, #tpu.memory_space<hbm>>) dst(%dma_wait3A_279 : memref<128xi32, #tpu.memory_space<vmem>>)
      tpu.yield
    }) : () -> ()
    %run_scoped3A_5 = arith.constant 0 : i32
    "tpu.region"() ({
      %run_scoped3A_264 = tpu.sem_alloc : memref<!tpu.dma_semaphore, #tpu.memory_space<semaphore_mem>>
      %dma_start3A_265 = arith.constant 0 : i32
      %dma_start3A_266 = tpu.memref_slice %arg10[%run_scoped3A_5, %dma_start3A_265] : memref<4x128xi32, #tpu.memory_space<vmem>> -> memref<1x128xi32, #tpu.memory_space<vmem>>
      %dma_start3A_267 = tpu.memref_squeeze %dma_start3A_266 : memref<1x128xi32, #tpu.memory_space<vmem>> -> memref<128xi32, #tpu.memory_space<vmem>>
      %dma_start3A_268 = tpu.memref_slice %arg6[%add3A_4] : memref<16384xi32, #tpu.memory_space<hbm>> -> memref<128xi32, #tpu.memory_space<hbm>>
      %dma_start3A_269 = arith.constant 0 : i32
      %dma_start3A_270 = tpu.memref_slice %arg10[%run_scoped3A_5, %dma_start3A_269] : memref<4x128xi32, #tpu.memory_space<vmem>> -> memref<1x128xi32, #tpu.memory_space<vmem>>
      %dma_start3A_271 = tpu.memref_squeeze %dma_start3A_270 : memref<1x128xi32, #tpu.memory_space<vmem>> -> memref<128xi32, #tpu.memory_space<vmem>>
      %dma_start3A_272 = tpu.memref_slice %arg6[%add3A_4] : memref<16384xi32, #tpu.memory_space<hbm>> -> memref<128xi32, #tpu.memory_space<hbm>>
      tpu.enqueue_dma source(%dma_start3A_272 : memref<128xi32, #tpu.memory_space<hbm>>) target(%dma_start3A_271 : memref<128xi32, #tpu.memory_space<vmem>>) target_semaphore(%run_scoped3A_264 : memref<!tpu.dma_semaphore, #tpu.memory_space<semaphore_mem>>)
      %dma_wait3A_273 = arith.constant 0 : i32
      %dma_wait3A_274 = tpu.memref_slice %arg10[%run_scoped3A_5, %dma_wait3A_273] : memref<4x128xi32, #tpu.memory_space<vmem>> -> memref<1x128xi32, #tpu.memory_space<vmem>>
      %dma_wait3A_275 = tpu.memref_squeeze %dma_wait3A_274 : memref<1x128xi32, #tpu.memory_space<vmem>> -> memref<128xi32, #tpu.memory_space<vmem>>
      %dma_wait3A_276 = tpu.memref_slice %arg6[%add3A_4] : memref<16384xi32, #tpu.memory_space<hbm>> -> memref<128xi32, #tpu.memory_space<hbm>>
      %dma_wait3A_277 = arith.constant 0 : i32
      %dma_wait3A_278 = tpu.memref_slice %arg10[%run_scoped3A_5, %dma_wait3A_277] : memref<4x128xi32, #tpu.memory_space<vmem>> -> memref<1x128xi32, #tpu.memory_space<vmem>>
      %dma_wait3A_279 = tpu.memref_squeeze %dma_wait3A_278 : memref<1x128xi32, #tpu.memory_space<vmem>> -> memref<128xi32, #tpu.memory_space<vmem>>
      %dma_wait3A_280 = tpu.memref_slice %arg6[%add3A_4] : memref<16384xi32, #tpu.memory_space<hbm>> -> memref<128xi32, #tpu.memory_space<hbm>>
      tpu.wait_dma2 semaphore(%run_scoped3A_264 : memref<!tpu.dma_semaphore, #tpu.memory_space<semaphore_mem>>) src(%dma_wait3A_280 : memref<128xi32, #tpu.memory_space<hbm>>) dst(%dma_wait3A_279 : memref<128xi32, #tpu.memory_space<vmem>>)
      tpu.yield
    }) : () -> ()
    %run_scoped3A_6 = arith.constant 0 : i32
    "tpu.region"() ({
      %run_scoped3A_264 = tpu.sem_alloc : memref<!tpu.dma_semaphore, #tpu.memory_space<semaphore_mem>>
      %dma_start3A_265 = arith.constant 0 : i32
      %dma_start3A_266 = tpu.memref_slice %arg11[%run_scoped3A_6, %dma_start3A_265] : memref<4x128xi32, #tpu.memory_space<vmem>> -> memref<1x128xi32, #tpu.memory_space<vmem>>
      %dma_start3A_267 = tpu.memref_squeeze %dma_start3A_266 : memref<1x128xi32, #tpu.memory_space<vmem>> -> memref<128xi32, #tpu.memory_space<vmem>>
      %dma_start3A_268 = tpu.memref_slice %arg7[%add3A_4] : memref<16384xi32, #tpu.memory_space<hbm>> -> memref<128xi32, #tpu.memory_space<hbm>>
      %dma_start3A_269 = arith.constant 0 : i32
      %dma_start3A_270 = tpu.memref_slice %arg11[%run_scoped3A_6, %dma_start3A_269] : memref<4x128xi32, #tpu.memory_space<vmem>> -> memref<1x128xi32, #tpu.memory_space<vmem>>
      %dma_start3A_271 = tpu.memref_squeeze %dma_start3A_270 : memref<1x128xi32, #tpu.memory_space<vmem>> -> memref<128xi32, #tpu.memory_space<vmem>>
      %dma_start3A_272 = tpu.memref_slice %arg7[%add3A_4] : memref<16384xi32, #tpu.memory_space<hbm>> -> memref<128xi32, #tpu.memory_space<hbm>>
      tpu.enqueue_dma source(%dma_start3A_272 : memref<128xi32, #tpu.memory_space<hbm>>) target(%dma_start3A_271 : memref<128xi32, #tpu.memory_space<vmem>>) target_semaphore(%run_scoped3A_264 : memref<!tpu.dma_semaphore, #tpu.memory_space<semaphore_mem>>)
      %dma_wait3A_273 = arith.constant 0 : i32
      %dma_wait3A_274 = tpu.memref_slice %arg11[%run_scoped3A_6, %dma_wait3A_273] : memref<4x128xi32, #tpu.memory_space<vmem>> -> memref<1x128xi32, #tpu.memory_space<vmem>>
      %dma_wait3A_275 = tpu.memref_squeeze %dma_wait3A_274 : memref<1x128xi32, #tpu.memory_space<vmem>> -> memref<128xi32, #tpu.memory_space<vmem>>
      %dma_wait3A_276 = tpu.memref_slice %arg7[%add3A_4] : memref<16384xi32, #tpu.memory_space<hbm>> -> memref<128xi32, #tpu.memory_space<hbm>>
      %dma_wait3A_277 = arith.constant 0 : i32
      %dma_wait3A_278 = tpu.memref_slice %arg11[%run_scoped3A_6, %dma_wait3A_277] : memref<4x128xi32, #tpu.memory_space<vmem>> -> memref<1x128xi32, #tpu.memory_space<vmem>>
      %dma_wait3A_279 = tpu.memref_squeeze %dma_wait3A_278 : memref<1x128xi32, #tpu.memory_space<vmem>> -> memref<128xi32, #tpu.memory_space<vmem>>
      %dma_wait3A_280 = tpu.memref_slice %arg7[%add3A_4] : memref<16384xi32, #tpu.memory_space<hbm>> -> memref<128xi32, #tpu.memory_space<hbm>>
      tpu.wait_dma2 semaphore(%run_scoped3A_264 : memref<!tpu.dma_semaphore, #tpu.memory_space<semaphore_mem>>) src(%dma_wait3A_280 : memref<128xi32, #tpu.memory_space<hbm>>) dst(%dma_wait3A_279 : memref<128xi32, #tpu.memory_space<vmem>>)
      tpu.yield
    }) : () -> ()
    %add3A_7 = arith.constant 128 : i32
    %add3A_8 = arith.addi %mul3A_2, %add3A_7 : i32
    %run_scoped3A_9 = arith.constant 1 : i32
    "tpu.region"() ({
      %run_scoped3A_264 = tpu.sem_alloc : memref<!tpu.dma_semaphore, #tpu.memory_space<semaphore_mem>>
      %dma_start3A_265 = arith.constant 0 : i32
      %dma_start3A_266 = tpu.memref_slice %arg9[%run_scoped3A_9, %dma_start3A_265] : memref<4x128xi32, #tpu.memory_space<vmem>> -> memref<1x128xi32, #tpu.memory_space<vmem>>
      %dma_start3A_267 = tpu.memref_squeeze %dma_start3A_266 : memref<1x128xi32, #tpu.memory_space<vmem>> -> memref<128xi32, #tpu.memory_space<vmem>>
      %dma_start3A_268 = tpu.memref_slice %arg5[%add3A_8] : memref<16384xi32, #tpu.memory_space<hbm>> -> memref<128xi32, #tpu.memory_space<hbm>>
      %dma_start3A_269 = arith.constant 0 : i32
      %dma_start3A_270 = tpu.memref_slice %arg9[%run_scoped3A_9, %dma_start3A_269] : memref<4x128xi32, #tpu.memory_space<vmem>> -> memref<1x128xi32, #tpu.memory_space<vmem>>
      %dma_start3A_271 = tpu.memref_squeeze %dma_start3A_270 : memref<1x128xi32, #tpu.memory_space<vmem>> -> memref<128xi32, #tpu.memory_space<vmem>>
      %dma_start3A_272 = tpu.memref_slice %arg5[%add3A_8] : memref<16384xi32, #tpu.memory_space<hbm>> -> memref<128xi32, #tpu.memory_space<hbm>>
      tpu.enqueue_dma source(%dma_start3A_272 : memref<128xi32, #tpu.memory_space<hbm>>) target(%dma_start3A_271 : memref<128xi32, #tpu.memory_space<vmem>>) target_semaphore(%run_scoped3A_264 : memref<!tpu.dma_semaphore, #tpu.memory_space<semaphore_mem>>)
      %dma_wait3A_273 = arith.constant 0 : i32
      %dma_wait3A_274 = tpu.memref_slice %arg9[%run_scoped3A_9, %dma_wait3A_273] : memref<4x128xi32, #tpu.memory_space<vmem>> -> memref<1x128xi32, #tpu.memory_space<vmem>>
      %dma_wait3A_275 = tpu.memref_squeeze %dma_wait3A_274 : memref<1x128xi32, #tpu.memory_space<vmem>> -> memref<128xi32, #tpu.memory_space<vmem>>
      %dma_wait3A_276 = tpu.memref_slice %arg5[%add3A_8] : memref<16384xi32, #tpu.memory_space<hbm>> -> memref<128xi32, #tpu.memory_space<hbm>>
      %dma_wait3A_277 = arith.constant 0 : i32
      %dma_wait3A_278 = tpu.memref_slice %arg9[%run_scoped3A_9, %dma_wait3A_277] : memref<4x128xi32, #tpu.memory_space<vmem>> -> memref<1x128xi32, #tpu.memory_space<vmem>>
      %dma_wait3A_279 = tpu.memref_squeeze %dma_wait3A_278 : memref<1x128xi32, #tpu.memory_space<vmem>> -> memref<128xi32, #tpu.memory_space<vmem>>
      %dma_wait3A_280 = tpu.memref_slice %arg5[%add3A_8] : memref<16384xi32, #tpu.memory_space<hbm>> -> memref<128xi32, #tpu.memory_space<hbm>>
      tpu.wait_dma2 semaphore(%run_scoped3A_264 : memref<!tpu.dma_semaphore, #tpu.memory_space<semaphore_mem>>) src(%dma_wait3A_280 : memref<128xi32, #tpu.memory_space<hbm>>) dst(%dma_wait3A_279 : memref<128xi32, #tpu.memory_space<vmem>>)
      tpu.yield
    }) : () -> ()
    %run_scoped3A_10 = arith.constant 1 : i32
    "tpu.region"() ({
      %run_scoped3A_264 = tpu.sem_alloc : memref<!tpu.dma_semaphore, #tpu.memory_space<semaphore_mem>>
      %dma_start3A_265 = arith.constant 0 : i32
      %dma_start3A_266 = tpu.memref_slice %arg10[%run_scoped3A_10, %dma_start3A_265] : memref<4x128xi32, #tpu.memory_space<vmem>> -> memref<1x128xi32, #tpu.memory_space<vmem>>
      %dma_start3A_267 = tpu.memref_squeeze %dma_start3A_266 : memref<1x128xi32, #tpu.memory_space<vmem>> -> memref<128xi32, #tpu.memory_space<vmem>>
      %dma_start3A_268 = tpu.memref_slice %arg6[%add3A_8] : memref<16384xi32, #tpu.memory_space<hbm>> -> memref<128xi32, #tpu.memory_space<hbm>>
      %dma_start3A_269 = arith.constant 0 : i32
      %dma_start3A_270 = tpu.memref_slice %arg10[%run_scoped3A_10, %dma_start3A_269] : memref<4x128xi32, #tpu.memory_space<vmem>> -> memref<1x128xi32, #tpu.memory_space<vmem>>
      %dma_start3A_271 = tpu.memref_squeeze %dma_start3A_270 : memref<1x128xi32, #tpu.memory_space<vmem>> -> memref<128xi32, #tpu.memory_space<vmem>>
      %dma_start3A_272 = tpu.memref_slice %arg6[%add3A_8] : memref<16384xi32, #tpu.memory_space<hbm>> -> memref<128xi32, #tpu.memory_space<hbm>>
      tpu.enqueue_dma source(%dma_start3A_272 : memref<128xi32, #tpu.memory_space<hbm>>) target(%dma_start3A_271 : memref<128xi32, #tpu.memory_space<vmem>>) target_semaphore(%run_scoped3A_264 : memref<!tpu.dma_semaphore, #tpu.memory_space<semaphore_mem>>)
      %dma_wait3A_273 = arith.constant 0 : i32
      %dma_wait3A_274 = tpu.memref_slice %arg10[%run_scoped3A_10, %dma_wait3A_273] : memref<4x128xi32, #tpu.memory_space<vmem>> -> memref<1x128xi32, #tpu.memory_space<vmem>>
      %dma_wait3A_275 = tpu.memref_squeeze %dma_wait3A_274 : memref<1x128xi32, #tpu.memory_space<vmem>> -> memref<128xi32, #tpu.memory_space<vmem>>
      %dma_wait3A_276 = tpu.memref_slice %arg6[%add3A_8] : memref<16384xi32, #tpu.memory_space<hbm>> -> memref<128xi32, #tpu.memory_space<hbm>>
      %dma_wait3A_277 = arith.constant 0 : i32
      %dma_wait3A_278 = tpu.memref_slice %arg10[%run_scoped3A_10, %dma_wait3A_277] : memref<4x128xi32, #tpu.memory_space<vmem>> -> memref<1x128xi32, #tpu.memory_space<vmem>>
      %dma_wait3A_279 = tpu.memref_squeeze %dma_wait3A_278 : memref<1x128xi32, #tpu.memory_space<vmem>> -> memref<128xi32, #tpu.memory_space<vmem>>
      %dma_wait3A_280 = tpu.memref_slice %arg6[%add3A_8] : memref<16384xi32, #tpu.memory_space<hbm>> -> memref<128xi32, #tpu.memory_space<hbm>>
      tpu.wait_dma2 semaphore(%run_scoped3A_264 : memref<!tpu.dma_semaphore, #tpu.memory_space<semaphore_mem>>) src(%dma_wait3A_280 : memref<128xi32, #tpu.memory_space<hbm>>) dst(%dma_wait3A_279 : memref<128xi32, #tpu.memory_space<vmem>>)
      tpu.yield
    }) : () -> ()
    %run_scoped3A_11 = arith.constant 1 : i32
    "tpu.region"() ({
      %run_scoped3A_264 = tpu.sem_alloc : memref<!tpu.dma_semaphore, #tpu.memory_space<semaphore_mem>>
      %dma_start3A_265 = arith.constant 0 : i32
      %dma_start3A_266 = tpu.memref_slice %arg11[%run_scoped3A_11, %dma_start3A_265] : memref<4x128xi32, #tpu.memory_space<vmem>> -> memref<1x128xi32, #tpu.memory_space<vmem>>
      %dma_start3A_267 = tpu.memref_squeeze %dma_start3A_266 : memref<1x128xi32, #tpu.memory_space<vmem>> -> memref<128xi32, #tpu.memory_space<vmem>>
      %dma_start3A_268 = tpu.memref_slice %arg7[%add3A_8] : memref<16384xi32, #tpu.memory_space<hbm>> -> memref<128xi32, #tpu.memory_space<hbm>>
      %dma_start3A_269 = arith.constant 0 : i32
      %dma_start3A_270 = tpu.memref_slice %arg11[%run_scoped3A_11, %dma_start3A_269] : memref<4x128xi32, #tpu.memory_space<vmem>> -> memref<1x128xi32, #tpu.memory_space<vmem>>
      %dma_start3A_271 = tpu.memref_squeeze %dma_start3A_270 : memref<1x128xi32, #tpu.memory_space<vmem>> -> memref<128xi32, #tpu.memory_space<vmem>>
      %dma_start3A_272 = tpu.memref_slice %arg7[%add3A_8] : memref<16384xi32, #tpu.memory_space<hbm>> -> memref<128xi32, #tpu.memory_space<hbm>>
      tpu.enqueue_dma source(%dma_start3A_272 : memref<128xi32, #tpu.memory_space<hbm>>) target(%dma_start3A_271 : memref<128xi32, #tpu.memory_space<vmem>>) target_semaphore(%run_scoped3A_264 : memref<!tpu.dma_semaphore, #tpu.memory_space<semaphore_mem>>)
      %dma_wait3A_273 = arith.constant 0 : i32
      %dma_wait3A_274 = tpu.memref_slice %arg11[%run_scoped3A_11, %dma_wait3A_273] : memref<4x128xi32, #tpu.memory_space<vmem>> -> memref<1x128xi32, #tpu.memory_space<vmem>>
      %dma_wait3A_275 = tpu.memref_squeeze %dma_wait3A_274 : memref<1x128xi32, #tpu.memory_space<vmem>> -> memref<128xi32, #tpu.memory_space<vmem>>
      %dma_wait3A_276 = tpu.memref_slice %arg7[%add3A_8] : memref<16384xi32, #tpu.memory_space<hbm>> -> memref<128xi32, #tpu.memory_space<hbm>>
      %dma_wait3A_277 = arith.constant 0 : i32
      %dma_wait3A_278 = tpu.memref_slice %arg11[%run_scoped3A_11, %dma_wait3A_277] : memref<4x128xi32, #tpu.memory_space<vmem>> -> memref<1x128xi32, #tpu.memory_space<vmem>>
      %dma_wait3A_279 = tpu.memref_squeeze %dma_wait3A_278 : memref<1x128xi32, #tpu.memory_space<vmem>> -> memref<128xi32, #tpu.memory_space<vmem>>
      %dma_wait3A_280 = tpu.memref_slice %arg7[%add3A_8] : memref<16384xi32, #tpu.memory_space<hbm>> -> memref<128xi32, #tpu.memory_space<hbm>>
      tpu.wait_dma2 semaphore(%run_scoped3A_264 : memref<!tpu.dma_semaphore, #tpu.memory_space<semaphore_mem>>) src(%dma_wait3A_280 : memref<128xi32, #tpu.memory_space<hbm>>) dst(%dma_wait3A_279 : memref<128xi32, #tpu.memory_space<vmem>>)
      tpu.yield
    }) : () -> ()
    %add3A_12 = arith.constant 256 : i32
    %add3A_13 = arith.addi %mul3A_2, %add3A_12 : i32
    %run_scoped3A_14 = arith.constant 2 : i32
    "tpu.region"() ({
      %run_scoped3A_264 = tpu.sem_alloc : memref<!tpu.dma_semaphore, #tpu.memory_space<semaphore_mem>>
      %dma_start3A_265 = arith.constant 0 : i32
      %dma_start3A_266 = tpu.memref_slice %arg9[%run_scoped3A_14, %dma_start3A_265] : memref<4x128xi32, #tpu.memory_space<vmem>> -> memref<1x128xi32, #tpu.memory_space<vmem>>
      %dma_start3A_267 = tpu.memref_squeeze %dma_start3A_266 : memref<1x128xi32, #tpu.memory_space<vmem>> -> memref<128xi32, #tpu.memory_space<vmem>>
      %dma_start3A_268 = tpu.memref_slice %arg5[%add3A_13] : memref<16384xi32, #tpu.memory_space<hbm>> -> memref<128xi32, #tpu.memory_space<hbm>>
      %dma_start3A_269 = arith.constant 0 : i32
      %dma_start3A_270 = tpu.memref_slice %arg9[%run_scoped3A_14, %dma_start3A_269] : memref<4x128xi32, #tpu.memory_space<vmem>> -> memref<1x128xi32, #tpu.memory_space<vmem>>
      %dma_start3A_271 = tpu.memref_squeeze %dma_start3A_270 : memref<1x128xi32, #tpu.memory_space<vmem>> -> memref<128xi32, #tpu.memory_space<vmem>>
      %dma_start3A_272 = tpu.memref_slice %arg5[%add3A_13] : memref<16384xi32, #tpu.memory_space<hbm>> -> memref<128xi32, #tpu.memory_space<hbm>>
      tpu.enqueue_dma source(%dma_start3A_272 : memref<128xi32, #tpu.memory_space<hbm>>) target(%dma_start3A_271 : memref<128xi32, #tpu.memory_space<vmem>>) target_semaphore(%run_scoped3A_264 : memref<!tpu.dma_semaphore, #tpu.memory_space<semaphore_mem>>)
      %dma_wait3A_273 = arith.constant 0 : i32
      %dma_wait3A_274 = tpu.memref_slice %arg9[%run_scoped3A_14, %dma_wait3A_273] : memref<4x128xi32, #tpu.memory_space<vmem>> -> memref<1x128xi32, #tpu.memory_space<vmem>>
      %dma_wait3A_275 = tpu.memref_squeeze %dma_wait3A_274 : memref<1x128xi32, #tpu.memory_space<vmem>> -> memref<128xi32, #tpu.memory_space<vmem>>
      %dma_wait3A_276 = tpu.memref_slice %arg5[%add3A_13] : memref<16384xi32, #tpu.memory_space<hbm>> -> memref<128xi32, #tpu.memory_space<hbm>>
      %dma_wait3A_277 = arith.constant 0 : i32
      %dma_wait3A_278 = tpu.memref_slice %arg9[%run_scoped3A_14, %dma_wait3A_277] : memref<4x128xi32, #tpu.memory_space<vmem>> -> memref<1x128xi32, #tpu.memory_space<vmem>>
      %dma_wait3A_279 = tpu.memref_squeeze %dma_wait3A_278 : memref<1x128xi32, #tpu.memory_space<vmem>> -> memref<128xi32, #tpu.memory_space<vmem>>
      %dma_wait3A_280 = tpu.memref_slice %arg5[%add3A_13] : memref<16384xi32, #tpu.memory_space<hbm>> -> memref<128xi32, #tpu.memory_space<hbm>>
      tpu.wait_dma2 semaphore(%run_scoped3A_264 : memref<!tpu.dma_semaphore, #tpu.memory_space<semaphore_mem>>) src(%dma_wait3A_280 : memref<128xi32, #tpu.memory_space<hbm>>) dst(%dma_wait3A_279 : memref<128xi32, #tpu.memory_space<vmem>>)
      tpu.yield
    }) : () -> ()
    %run_scoped3A_15 = arith.constant 2 : i32
    "tpu.region"() ({
      %run_scoped3A_264 = tpu.sem_alloc : memref<!tpu.dma_semaphore, #tpu.memory_space<semaphore_mem>>
      %dma_start3A_265 = arith.constant 0 : i32
      %dma_start3A_266 = tpu.memref_slice %arg10[%run_scoped3A_15, %dma_start3A_265] : memref<4x128xi32, #tpu.memory_space<vmem>> -> memref<1x128xi32, #tpu.memory_space<vmem>>
      %dma_start3A_267 = tpu.memref_squeeze %dma_start3A_266 : memref<1x128xi32, #tpu.memory_space<vmem>> -> memref<128xi32, #tpu.memory_space<vmem>>
      %dma_start3A_268 = tpu.memref_slice %arg6[%add3A_13] : memref<16384xi32, #tpu.memory_space<hbm>> -> memref<128xi32, #tpu.memory_space<hbm>>
      %dma_start3A_269 = arith.constant 0 : i32
      %dma_start3A_270 = tpu.memref_slice %arg10[%run_scoped3A_15, %dma_start3A_269] : memref<4x128xi32, #tpu.memory_space<vmem>> -> memref<1x128xi32, #tpu.memory_space<vmem>>
      %dma_start3A_271 = tpu.memref_squeeze %dma_start3A_270 : memref<1x128xi32, #tpu.memory_space<vmem>> -> memref<128xi32, #tpu.memory_space<vmem>>
      %dma_start3A_272 = tpu.memref_slice %arg6[%add3A_13] : memref<16384xi32, #tpu.memory_space<hbm>> -> memref<128xi32, #tpu.memory_space<hbm>>
      tpu.enqueue_dma source(%dma_start3A_272 : memref<128xi32, #tpu.memory_space<hbm>>) target(%dma_start3A_271 : memref<128xi32, #tpu.memory_space<vmem>>) target_semaphore(%run_scoped3A_264 : memref<!tpu.dma_semaphore, #tpu.memory_space<semaphore_mem>>)
      %dma_wait3A_273 = arith.constant 0 : i32
      %dma_wait3A_274 = tpu.memref_slice %arg10[%run_scoped3A_15, %dma_wait3A_273] : memref<4x128xi32, #tpu.memory_space<vmem>> -> memref<1x128xi32, #tpu.memory_space<vmem>>
      %dma_wait3A_275 = tpu.memref_squeeze %dma_wait3A_274 : memref<1x128xi32, #tpu.memory_space<vmem>> -> memref<128xi32, #tpu.memory_space<vmem>>
      %dma_wait3A_276 = tpu.memref_slice %arg6[%add3A_13] : memref<16384xi32, #tpu.memory_space<hbm>> -> memref<128xi32, #tpu.memory_space<hbm>>
      %dma_wait3A_277 = arith.constant 0 : i32
      %dma_wait3A_278 = tpu.memref_slice %arg10[%run_scoped3A_15, %dma_wait3A_277] : memref<4x128xi32, #tpu.memory_space<vmem>> -> memref<1x128xi32, #tpu.memory_space<vmem>>
      %dma_wait3A_279 = tpu.memref_squeeze %dma_wait3A_278 : memref<1x128xi32, #tpu.memory_space<vmem>> -> memref<128xi32, #tpu.memory_space<vmem>>
      %dma_wait3A_280 = tpu.memref_slice %arg6[%add3A_13] : memref<16384xi32, #tpu.memory_space<hbm>> -> memref<128xi32, #tpu.memory_space<hbm>>
      tpu.wait_dma2 semaphore(%run_scoped3A_264 : memref<!tpu.dma_semaphore, #tpu.memory_space<semaphore_mem>>) src(%dma_wait3A_280 : memref<128xi32, #tpu.memory_space<hbm>>) dst(%dma_wait3A_279 : memref<128xi32, #tpu.memory_space<vmem>>)
      tpu.yield
    }) : () -> ()
    %run_scoped3A_16 = arith.constant 2 : i32
    "tpu.region"() ({
      %run_scoped3A_264 = tpu.sem_alloc : memref<!tpu.dma_semaphore, #tpu.memory_space<semaphore_mem>>
      %dma_start3A_265 = arith.constant 0 : i32
      %dma_start3A_266 = tpu.memref_slice %arg11[%run_scoped3A_16, %dma_start3A_265] : memref<4x128xi32, #tpu.memory_space<vmem>> -> memref<1x128xi32, #tpu.memory_space<vmem>>
      %dma_start3A_267 = tpu.memref_squeeze %dma_start3A_266 : memref<1x128xi32, #tpu.memory_space<vmem>> -> memref<128xi32, #tpu.memory_space<vmem>>
      %dma_start3A_268 = tpu.memref_slice %arg7[%add3A_13] : memref<16384xi32, #tpu.memory_space<hbm>> -> memref<128xi32, #tpu.memory_space<hbm>>
      %dma_start3A_269 = arith.constant 0 : i32
      %dma_start3A_270 = tpu.memref_slice %arg11[%run_scoped3A_16, %dma_start3A_269] : memref<4x128xi32, #tpu.memory_space<vmem>> -> memref<1x128xi32, #tpu.memory_space<vmem>>
      %dma_start3A_271 = tpu.memref_squeeze %dma_start3A_270 : memref<1x128xi32, #tpu.memory_space<vmem>> -> memref<128xi32, #tpu.memory_space<vmem>>
      %dma_start3A_272 = tpu.memref_slice %arg7[%add3A_13] : memref<16384xi32, #tpu.memory_space<hbm>> -> memref<128xi32, #tpu.memory_space<hbm>>
      tpu.enqueue_dma source(%dma_start3A_272 : memref<128xi32, #tpu.memory_space<hbm>>) target(%dma_start3A_271 : memref<128xi32, #tpu.memory_space<vmem>>) target_semaphore(%run_scoped3A_264 : memref<!tpu.dma_semaphore, #tpu.memory_space<semaphore_mem>>)
      %dma_wait3A_273 = arith.constant 0 : i32
      %dma_wait3A_274 = tpu.memref_slice %arg11[%run_scoped3A_16, %dma_wait3A_273] : memref<4x128xi32, #tpu.memory_space<vmem>> -> memref<1x128xi32, #tpu.memory_space<vmem>>
      %dma_wait3A_275 = tpu.memref_squeeze %dma_wait3A_274 : memref<1x128xi32, #tpu.memory_space<vmem>> -> memref<128xi32, #tpu.memory_space<vmem>>
      %dma_wait3A_276 = tpu.memref_slice %arg7[%add3A_13] : memref<16384xi32, #tpu.memory_space<hbm>> -> memref<128xi32, #tpu.memory_space<hbm>>
      %dma_wait3A_277 = arith.constant 0 : i32
      %dma_wait3A_278 = tpu.memref_slice %arg11[%run_scoped3A_16, %dma_wait3A_277] : memref<4x128xi32, #tpu.memory_space<vmem>> -> memref<1x128xi32, #tpu.memory_space<vmem>>
      %dma_wait3A_279 = tpu.memref_squeeze %dma_wait3A_278 : memref<1x128xi32, #tpu.memory_space<vmem>> -> memref<128xi32, #tpu.memory_space<vmem>>
      %dma_wait3A_280 = tpu.memref_slice %arg7[%add3A_13] : memref<16384xi32, #tpu.memory_space<hbm>> -> memref<128xi32, #tpu.memory_space<hbm>>
      tpu.wait_dma2 semaphore(%run_scoped3A_264 : memref<!tpu.dma_semaphore, #tpu.memory_space<semaphore_mem>>) src(%dma_wait3A_280 : memref<128xi32, #tpu.memory_space<hbm>>) dst(%dma_wait3A_279 : memref<128xi32, #tpu.memory_space<vmem>>)
      tpu.yield
    }) : () -> ()
    %add3A_17 = arith.constant 384 : i32
    %add3A_18 = arith.addi %mul3A_2, %add3A_17 : i32
    %run_scoped3A_19 = arith.constant 3 : i32
    "tpu.region"() ({
      %run_scoped3A_264 = tpu.sem_alloc : memref<!tpu.dma_semaphore, #tpu.memory_space<semaphore_mem>>
      %dma_start3A_265 = arith.constant 0 : i32
      %dma_start3A_266 = tpu.memref_slice %arg9[%run_scoped3A_19, %dma_start3A_265] : memref<4x128xi32, #tpu.memory_space<vmem>> -> memref<1x128xi32, #tpu.memory_space<vmem>>
      %dma_start3A_267 = tpu.memref_squeeze %dma_start3A_266 : memref<1x128xi32, #tpu.memory_space<vmem>> -> memref<128xi32, #tpu.memory_space<vmem>>
      %dma_start3A_268 = tpu.memref_slice %arg5[%add3A_18] : memref<16384xi32, #tpu.memory_space<hbm>> -> memref<128xi32, #tpu.memory_space<hbm>>
      %dma_start3A_269 = arith.constant 0 : i32
      %dma_start3A_270 = tpu.memref_slice %arg9[%run_scoped3A_19, %dma_start3A_269] : memref<4x128xi32, #tpu.memory_space<vmem>> -> memref<1x128xi32, #tpu.memory_space<vmem>>
      %dma_start3A_271 = tpu.memref_squeeze %dma_start3A_270 : memref<1x128xi32, #tpu.memory_space<vmem>> -> memref<128xi32, #tpu.memory_space<vmem>>
      %dma_start3A_272 = tpu.memref_slice %arg5[%add3A_18] : memref<16384xi32, #tpu.memory_space<hbm>> -> memref<128xi32, #tpu.memory_space<hbm>>
      tpu.enqueue_dma source(%dma_start3A_272 : memref<128xi32, #tpu.memory_space<hbm>>) target(%dma_start3A_271 : memref<128xi32, #tpu.memory_space<vmem>>) target_semaphore(%run_scoped3A_264 : memref<!tpu.dma_semaphore, #tpu.memory_space<semaphore_mem>>)
      %dma_wait3A_273 = arith.constant 0 : i32
      %dma_wait3A_274 = tpu.memref_slice %arg9[%run_scoped3A_19, %dma_wait3A_273] : memref<4x128xi32, #tpu.memory_space<vmem>> -> memref<1x128xi32, #tpu.memory_space<vmem>>
      %dma_wait3A_275 = tpu.memref_squeeze %dma_wait3A_274 : memref<1x128xi32, #tpu.memory_space<vmem>> -> memref<128xi32, #tpu.memory_space<vmem>>
      %dma_wait3A_276 = tpu.memref_slice %arg5[%add3A_18] : memref<16384xi32, #tpu.memory_space<hbm>> -> memref<128xi32, #tpu.memory_space<hbm>>
      %dma_wait3A_277 = arith.constant 0 : i32
      %dma_wait3A_278 = tpu.memref_slice %arg9[%run_scoped3A_19, %dma_wait3A_277] : memref<4x128xi32, #tpu.memory_space<vmem>> -> memref<1x128xi32, #tpu.memory_space<vmem>>
      %dma_wait3A_279 = tpu.memref_squeeze %dma_wait3A_278 : memref<1x128xi32, #tpu.memory_space<vmem>> -> memref<128xi32, #tpu.memory_space<vmem>>
      %dma_wait3A_280 = tpu.memref_slice %arg5[%add3A_18] : memref<16384xi32, #tpu.memory_space<hbm>> -> memref<128xi32, #tpu.memory_space<hbm>>
      tpu.wait_dma2 semaphore(%run_scoped3A_264 : memref<!tpu.dma_semaphore, #tpu.memory_space<semaphore_mem>>) src(%dma_wait3A_280 : memref<128xi32, #tpu.memory_space<hbm>>) dst(%dma_wait3A_279 : memref<128xi32, #tpu.memory_space<vmem>>)
      tpu.yield
    }) : () -> ()
    %run_scoped3A_20 = arith.constant 3 : i32
    "tpu.region"() ({
      %run_scoped3A_264 = tpu.sem_alloc : memref<!tpu.dma_semaphore, #tpu.memory_space<semaphore_mem>>
      %dma_start3A_265 = arith.constant 0 : i32
      %dma_start3A_266 = tpu.memref_slice %arg10[%run_scoped3A_20, %dma_start3A_265] : memref<4x128xi32, #tpu.memory_space<vmem>> -> memref<1x128xi32, #tpu.memory_space<vmem>>
      %dma_start3A_267 = tpu.memref_squeeze %dma_start3A_266 : memref<1x128xi32, #tpu.memory_space<vmem>> -> memref<128xi32, #tpu.memory_space<vmem>>
      %dma_start3A_268 = tpu.memref_slice %arg6[%add3A_18] : memref<16384xi32, #tpu.memory_space<hbm>> -> memref<128xi32, #tpu.memory_space<hbm>>
      %dma_start3A_269 = arith.constant 0 : i32
      %dma_start3A_270 = tpu.memref_slice %arg10[%run_scoped3A_20, %dma_start3A_269] : memref<4x128xi32, #tpu.memory_space<vmem>> -> memref<1x128xi32, #tpu.memory_space<vmem>>
      %dma_start3A_271 = tpu.memref_squeeze %dma_start3A_270 : memref<1x128xi32, #tpu.memory_space<vmem>> -> memref<128xi32, #tpu.memory_space<vmem>>
      %dma_start3A_272 = tpu.memref_slice %arg6[%add3A_18] : memref<16384xi32, #tpu.memory_space<hbm>> -> memref<128xi32, #tpu.memory_space<hbm>>
      tpu.enqueue_dma source(%dma_start3A_272 : memref<128xi32, #tpu.memory_space<hbm>>) target(%dma_start3A_271 : memref<128xi32, #tpu.memory_space<vmem>>) target_semaphore(%run_scoped3A_264 : memref<!tpu.dma_semaphore, #tpu.memory_space<semaphore_mem>>)
      %dma_wait3A_273 = arith.constant 0 : i32
      %dma_wait3A_274 = tpu.memref_slice %arg10[%run_scoped3A_20, %dma_wait3A_273] : memref<4x128xi32, #tpu.memory_space<vmem>> -> memref<1x128xi32, #tpu.memory_space<vmem>>
      %dma_wait3A_275 = tpu.memref_squeeze %dma_wait3A_274 : memref<1x128xi32, #tpu.memory_space<vmem>> -> memref<128xi32, #tpu.memory_space<vmem>>
      %dma_wait3A_276 = tpu.memref_slice %arg6[%add3A_18] : memref<16384xi32, #tpu.memory_space<hbm>> -> memref<128xi32, #tpu.memory_space<hbm>>
      %dma_wait3A_277 = arith.constant 0 : i32
      %dma_wait3A_278 = tpu.memref_slice %arg10[%run_scoped3A_20, %dma_wait3A_277] : memref<4x128xi32, #tpu.memory_space<vmem>> -> memref<1x128xi32, #tpu.memory_space<vmem>>
      %dma_wait3A_279 = tpu.memref_squeeze %dma_wait3A_278 : memref<1x128xi32, #tpu.memory_space<vmem>> -> memref<128xi32, #tpu.memory_space<vmem>>
      %dma_wait3A_280 = tpu.memref_slice %arg6[%add3A_18] : memref<16384xi32, #tpu.memory_space<hbm>> -> memref<128xi32, #tpu.memory_space<hbm>>
      tpu.wait_dma2 semaphore(%run_scoped3A_264 : memref<!tpu.dma_semaphore, #tpu.memory_space<semaphore_mem>>) src(%dma_wait3A_280 : memref<128xi32, #tpu.memory_space<hbm>>) dst(%dma_wait3A_279 : memref<128xi32, #tpu.memory_space<vmem>>)
      tpu.yield
    }) : () -> ()
    %run_scoped3A_21 = arith.constant 3 : i32
    "tpu.region"() ({
      %run_scoped3A_264 = tpu.sem_alloc : memref<!tpu.dma_semaphore, #tpu.memory_space<semaphore_mem>>
      %dma_start3A_265 = arith.constant 0 : i32
      %dma_start3A_266 = tpu.memref_slice %arg11[%run_scoped3A_21, %dma_start3A_265] : memref<4x128xi32, #tpu.memory_space<vmem>> -> memref<1x128xi32, #tpu.memory_space<vmem>>
      %dma_start3A_267 = tpu.memref_squeeze %dma_start3A_266 : memref<1x128xi32, #tpu.memory_space<vmem>> -> memref<128xi32, #tpu.memory_space<vmem>>
      %dma_start3A_268 = tpu.memref_slice %arg7[%add3A_18] : memref<16384xi32, #tpu.memory_space<hbm>> -> memref<128xi32, #tpu.memory_space<hbm>>
      %dma_start3A_269 = arith.constant 0 : i32
      %dma_start3A_270 = tpu.memref_slice %arg11[%run_scoped3A_21, %dma_start3A_269] : memref<4x128xi32, #tpu.memory_space<vmem>> -> memref<1x128xi32, #tpu.memory_space<vmem>>
      %dma_start3A_271 = tpu.memref_squeeze %dma_start3A_270 : memref<1x128xi32, #tpu.memory_space<vmem>> -> memref<128xi32, #tpu.memory_space<vmem>>
      %dma_start3A_272 = tpu.memref_slice %arg7[%add3A_18] : memref<16384xi32, #tpu.memory_space<hbm>> -> memref<128xi32, #tpu.memory_space<hbm>>
      tpu.enqueue_dma source(%dma_start3A_272 : memref<128xi32, #tpu.memory_space<hbm>>) target(%dma_start3A_271 : memref<128xi32, #tpu.memory_space<vmem>>) target_semaphore(%run_scoped3A_264 : memref<!tpu.dma_semaphore, #tpu.memory_space<semaphore_mem>>)
      %dma_wait3A_273 = arith.constant 0 : i32
      %dma_wait3A_274 = tpu.memref_slice %arg11[%run_scoped3A_21, %dma_wait3A_273] : memref<4x128xi32, #tpu.memory_space<vmem>> -> memref<1x128xi32, #tpu.memory_space<vmem>>
      %dma_wait3A_275 = tpu.memref_squeeze %dma_wait3A_274 : memref<1x128xi32, #tpu.memory_space<vmem>> -> memref<128xi32, #tpu.memory_space<vmem>>
      %dma_wait3A_276 = tpu.memref_slice %arg7[%add3A_18] : memref<16384xi32, #tpu.memory_space<hbm>> -> memref<128xi32, #tpu.memory_space<hbm>>
      %dma_wait3A_277 = arith.constant 0 : i32
      %dma_wait3A_278 = tpu.memref_slice %arg11[%run_scoped3A_21, %dma_wait3A_277] : memref<4x128xi32, #tpu.memory_space<vmem>> -> memref<1x128xi32, #tpu.memory_space<vmem>>
      %dma_wait3A_279 = tpu.memref_squeeze %dma_wait3A_278 : memref<1x128xi32, #tpu.memory_space<vmem>> -> memref<128xi32, #tpu.memory_space<vmem>>
      %dma_wait3A_280 = tpu.memref_slice %arg7[%add3A_18] : memref<16384xi32, #tpu.memory_space<hbm>> -> memref<128xi32, #tpu.memory_space<hbm>>
      tpu.wait_dma2 semaphore(%run_scoped3A_264 : memref<!tpu.dma_semaphore, #tpu.memory_space<semaphore_mem>>) src(%dma_wait3A_280 : memref<128xi32, #tpu.memory_space<hbm>>) dst(%dma_wait3A_279 : memref<128xi32, #tpu.memory_space<vmem>>)
      tpu.yield
    }) : () -> ()
    %dma_start3A = arith.constant 0 : i32
    %dma_start3A_22 = arith.constant 0 : i32
    %dma_start3A_23 = arith.constant 0 : i32
    %dma_start3A_24 = tpu.memref_slice %arg12[%dma_start3A_22, %dma_start3A_23] : memref<512x64xf32, #tpu.memory_space<vmem>> -> memref<128x64xf32, #tpu.memory_space<vmem>>
    %dma_start3A_25 = arith.constant 0 : i32
    %dma_start3A_26 = tpu.memref_slice %arg9[%dma_start3A, %dma_start3A_25] : memref<4x128xi32, #tpu.memory_space<vmem>> -> memref<1x128xi32, #tpu.memory_space<vmem>>
    %dma_start3A_27 = tpu.memref_squeeze %dma_start3A_26 : memref<1x128xi32, #tpu.memory_space<vmem>> -> memref<128xi32, #tpu.memory_space<vmem>>
    %dma_start3A_28 = arith.constant 0 : i32
    %dma_start3A_29 = arith.constant 0 : i32
    %dma_start3A_30 = tpu.memref_slice %arg2[%dma_start3A_28, %dma_start3A_29] : memref<1000000x64xf32, #tpu.memory_space<hbm>> -> memref<1000000x64xf32, #tpu.memory_space<hbm>>
    tpu.enqueue_indirect_dma source(%dma_start3A_30 : memref<1000000x64xf32, #tpu.memory_space<hbm>>) target(%dma_start3A_24 : memref<128x64xf32, #tpu.memory_space<vmem>>) offsets(%dma_start3A_27 : memref<128xi32, #tpu.memory_space<vmem>>) semaphore(%arg16 : memref<!tpu.dma_semaphore, #tpu.memory_space<semaphore_mem>>)
    %dma_start3A_31 = arith.constant 0 : i32
    %dma_start3A_32 = arith.constant 0 : i32
    %dma_start3A_33 = arith.constant 0 : i32
    %dma_start3A_34 = tpu.memref_slice %arg13[%dma_start3A_32, %dma_start3A_33] : memref<512x64xf32, #tpu.memory_space<vmem>> -> memref<128x64xf32, #tpu.memory_space<vmem>>
    %dma_start3A_35 = arith.constant 0 : i32
    %dma_start3A_36 = tpu.memref_slice %arg10[%dma_start3A_31, %dma_start3A_35] : memref<4x128xi32, #tpu.memory_space<vmem>> -> memref<1x128xi32, #tpu.memory_space<vmem>>
    %dma_start3A_37 = tpu.memref_squeeze %dma_start3A_36 : memref<1x128xi32, #tpu.memory_space<vmem>> -> memref<128xi32, #tpu.memory_space<vmem>>
    %dma_start3A_38 = arith.constant 0 : i32
    %dma_start3A_39 = arith.constant 0 : i32
    %dma_start3A_40 = tpu.memref_slice %arg4[%dma_start3A_38, %dma_start3A_39] : memref<1000x64xf32, #tpu.memory_space<hbm>> -> memref<1000x64xf32, #tpu.memory_space<hbm>>
    tpu.enqueue_indirect_dma source(%dma_start3A_40 : memref<1000x64xf32, #tpu.memory_space<hbm>>) target(%dma_start3A_34 : memref<128x64xf32, #tpu.memory_space<vmem>>) offsets(%dma_start3A_37 : memref<128xi32, #tpu.memory_space<vmem>>) semaphore(%arg16 : memref<!tpu.dma_semaphore, #tpu.memory_space<semaphore_mem>>)
    %dma_start3A_41 = arith.constant 0 : i32
    %dma_start3A_42 = arith.constant 0 : i32
    %dma_start3A_43 = arith.constant 0 : i32
    %dma_start3A_44 = tpu.memref_slice %arg14[%dma_start3A_42, %dma_start3A_43] : memref<512x64xf32, #tpu.memory_space<vmem>> -> memref<128x64xf32, #tpu.memory_space<vmem>>
    %dma_start3A_45 = arith.constant 0 : i32
    %dma_start3A_46 = tpu.memref_slice %arg11[%dma_start3A_41, %dma_start3A_45] : memref<4x128xi32, #tpu.memory_space<vmem>> -> memref<1x128xi32, #tpu.memory_space<vmem>>
    %dma_start3A_47 = tpu.memref_squeeze %dma_start3A_46 : memref<1x128xi32, #tpu.memory_space<vmem>> -> memref<128xi32, #tpu.memory_space<vmem>>
    %dma_start3A_48 = arith.constant 0 : i32
    %dma_start3A_49 = arith.constant 0 : i32
    %dma_start3A_50 = tpu.memref_slice %arg3[%dma_start3A_48, %dma_start3A_49] : memref<1000000x64xf32, #tpu.memory_space<hbm>> -> memref<1000000x64xf32, #tpu.memory_space<hbm>>
    tpu.enqueue_indirect_dma source(%dma_start3A_50 : memref<1000000x64xf32, #tpu.memory_space<hbm>>) target(%dma_start3A_44 : memref<128x64xf32, #tpu.memory_space<vmem>>) offsets(%dma_start3A_47 : memref<128xi32, #tpu.memory_space<vmem>>) semaphore(%arg16 : memref<!tpu.dma_semaphore, #tpu.memory_space<semaphore_mem>>)
    %dma_start3A_51 = arith.constant 1 : i32
    %dma_start3A_52 = arith.constant 128 : i32
    %dma_start3A_53 = arith.constant 0 : i32
    %dma_start3A_54 = tpu.memref_slice %arg12[%dma_start3A_52, %dma_start3A_53] : memref<512x64xf32, #tpu.memory_space<vmem>> -> memref<128x64xf32, #tpu.memory_space<vmem>>
    %dma_start3A_55 = arith.constant 0 : i32
    %dma_start3A_56 = tpu.memref_slice %arg9[%dma_start3A_51, %dma_start3A_55] : memref<4x128xi32, #tpu.memory_space<vmem>> -> memref<1x128xi32, #tpu.memory_space<vmem>>
    %dma_start3A_57 = tpu.memref_squeeze %dma_start3A_56 : memref<1x128xi32, #tpu.memory_space<vmem>> -> memref<128xi32, #tpu.memory_space<vmem>>
    %dma_start3A_58 = arith.constant 0 : i32
    %dma_start3A_59 = arith.constant 0 : i32
    %dma_start3A_60 = tpu.memref_slice %arg2[%dma_start3A_58, %dma_start3A_59] : memref<1000000x64xf32, #tpu.memory_space<hbm>> -> memref<1000000x64xf32, #tpu.memory_space<hbm>>
    tpu.enqueue_indirect_dma source(%dma_start3A_60 : memref<1000000x64xf32, #tpu.memory_space<hbm>>) target(%dma_start3A_54 : memref<128x64xf32, #tpu.memory_space<vmem>>) offsets(%dma_start3A_57 : memref<128xi32, #tpu.memory_space<vmem>>) semaphore(%arg16 : memref<!tpu.dma_semaphore, #tpu.memory_space<semaphore_mem>>)
    %dma_start3A_61 = arith.constant 1 : i32
    %dma_start3A_62 = arith.constant 128 : i32
    %dma_start3A_63 = arith.constant 0 : i32
    %dma_start3A_64 = tpu.memref_slice %arg13[%dma_start3A_62, %dma_start3A_63] : memref<512x64xf32, #tpu.memory_space<vmem>> -> memref<128x64xf32, #tpu.memory_space<vmem>>
    %dma_start3A_65 = arith.constant 0 : i32
    %dma_start3A_66 = tpu.memref_slice %arg10[%dma_start3A_61, %dma_start3A_65] : memref<4x128xi32, #tpu.memory_space<vmem>> -> memref<1x128xi32, #tpu.memory_space<vmem>>
    %dma_start3A_67 = tpu.memref_squeeze %dma_start3A_66 : memref<1x128xi32, #tpu.memory_space<vmem>> -> memref<128xi32, #tpu.memory_space<vmem>>
    %dma_start3A_68 = arith.constant 0 : i32
    %dma_start3A_69 = arith.constant 0 : i32
    %dma_start3A_70 = tpu.memref_slice %arg4[%dma_start3A_68, %dma_start3A_69] : memref<1000x64xf32, #tpu.memory_space<hbm>> -> memref<1000x64xf32, #tpu.memory_space<hbm>>
    tpu.enqueue_indirect_dma source(%dma_start3A_70 : memref<1000x64xf32, #tpu.memory_space<hbm>>) target(%dma_start3A_64 : memref<128x64xf32, #tpu.memory_space<vmem>>) offsets(%dma_start3A_67 : memref<128xi32, #tpu.memory_space<vmem>>) semaphore(%arg16 : memref<!tpu.dma_semaphore, #tpu.memory_space<semaphore_mem>>)
    %dma_start3A_71 = arith.constant 1 : i32
    %dma_start3A_72 = arith.constant 128 : i32
    %dma_start3A_73 = arith.constant 0 : i32
    %dma_start3A_74 = tpu.memref_slice %arg14[%dma_start3A_72, %dma_start3A_73] : memref<512x64xf32, #tpu.memory_space<vmem>> -> memref<128x64xf32, #tpu.memory_space<vmem>>
    %dma_start3A_75 = arith.constant 0 : i32
    %dma_start3A_76 = tpu.memref_slice %arg11[%dma_start3A_71, %dma_start3A_75] : memref<4x128xi32, #tpu.memory_space<vmem>> -> memref<1x128xi32, #tpu.memory_space<vmem>>
    %dma_start3A_77 = tpu.memref_squeeze %dma_start3A_76 : memref<1x128xi32, #tpu.memory_space<vmem>> -> memref<128xi32, #tpu.memory_space<vmem>>
    %dma_start3A_78 = arith.constant 0 : i32
    %dma_start3A_79 = arith.constant 0 : i32
    %dma_start3A_80 = tpu.memref_slice %arg3[%dma_start3A_78, %dma_start3A_79] : memref<1000000x64xf32, #tpu.memory_space<hbm>> -> memref<1000000x64xf32, #tpu.memory_space<hbm>>
    tpu.enqueue_indirect_dma source(%dma_start3A_80 : memref<1000000x64xf32, #tpu.memory_space<hbm>>) target(%dma_start3A_74 : memref<128x64xf32, #tpu.memory_space<vmem>>) offsets(%dma_start3A_77 : memref<128xi32, #tpu.memory_space<vmem>>) semaphore(%arg16 : memref<!tpu.dma_semaphore, #tpu.memory_space<semaphore_mem>>)
    %dma_start3A_81 = arith.constant 2 : i32
    %dma_start3A_82 = arith.constant 256 : i32
    %dma_start3A_83 = arith.constant 0 : i32
    %dma_start3A_84 = tpu.memref_slice %arg12[%dma_start3A_82, %dma_start3A_83] : memref<512x64xf32, #tpu.memory_space<vmem>> -> memref<128x64xf32, #tpu.memory_space<vmem>>
    %dma_start3A_85 = arith.constant 0 : i32
    %dma_start3A_86 = tpu.memref_slice %arg9[%dma_start3A_81, %dma_start3A_85] : memref<4x128xi32, #tpu.memory_space<vmem>> -> memref<1x128xi32, #tpu.memory_space<vmem>>
    %dma_start3A_87 = tpu.memref_squeeze %dma_start3A_86 : memref<1x128xi32, #tpu.memory_space<vmem>> -> memref<128xi32, #tpu.memory_space<vmem>>
    %dma_start3A_88 = arith.constant 0 : i32
    %dma_start3A_89 = arith.constant 0 : i32
    %dma_start3A_90 = tpu.memref_slice %arg2[%dma_start3A_88, %dma_start3A_89] : memref<1000000x64xf32, #tpu.memory_space<hbm>> -> memref<1000000x64xf32, #tpu.memory_space<hbm>>
    tpu.enqueue_indirect_dma source(%dma_start3A_90 : memref<1000000x64xf32, #tpu.memory_space<hbm>>) target(%dma_start3A_84 : memref<128x64xf32, #tpu.memory_space<vmem>>) offsets(%dma_start3A_87 : memref<128xi32, #tpu.memory_space<vmem>>) semaphore(%arg16 : memref<!tpu.dma_semaphore, #tpu.memory_space<semaphore_mem>>)
    %dma_start3A_91 = arith.constant 2 : i32
    %dma_start3A_92 = arith.constant 256 : i32
    %dma_start3A_93 = arith.constant 0 : i32
    %dma_start3A_94 = tpu.memref_slice %arg13[%dma_start3A_92, %dma_start3A_93] : memref<512x64xf32, #tpu.memory_space<vmem>> -> memref<128x64xf32, #tpu.memory_space<vmem>>
    %dma_start3A_95 = arith.constant 0 : i32
    %dma_start3A_96 = tpu.memref_slice %arg10[%dma_start3A_91, %dma_start3A_95] : memref<4x128xi32, #tpu.memory_space<vmem>> -> memref<1x128xi32, #tpu.memory_space<vmem>>
    %dma_start3A_97 = tpu.memref_squeeze %dma_start3A_96 : memref<1x128xi32, #tpu.memory_space<vmem>> -> memref<128xi32, #tpu.memory_space<vmem>>
    %dma_start3A_98 = arith.constant 0 : i32
    %dma_start3A_99 = arith.constant 0 : i32
    %dma_start3A_100 = tpu.memref_slice %arg4[%dma_start3A_98, %dma_start3A_99] : memref<1000x64xf32, #tpu.memory_space<hbm>> -> memref<1000x64xf32, #tpu.memory_space<hbm>>
    tpu.enqueue_indirect_dma source(%dma_start3A_100 : memref<1000x64xf32, #tpu.memory_space<hbm>>) target(%dma_start3A_94 : memref<128x64xf32, #tpu.memory_space<vmem>>) offsets(%dma_start3A_97 : memref<128xi32, #tpu.memory_space<vmem>>) semaphore(%arg16 : memref<!tpu.dma_semaphore, #tpu.memory_space<semaphore_mem>>)
    %dma_start3A_101 = arith.constant 2 : i32
    %dma_start3A_102 = arith.constant 256 : i32
    %dma_start3A_103 = arith.constant 0 : i32
    %dma_start3A_104 = tpu.memref_slice %arg14[%dma_start3A_102, %dma_start3A_103] : memref<512x64xf32, #tpu.memory_space<vmem>> -> memref<128x64xf32, #tpu.memory_space<vmem>>
    %dma_start3A_105 = arith.constant 0 : i32
    %dma_start3A_106 = tpu.memref_slice %arg11[%dma_start3A_101, %dma_start3A_105] : memref<4x128xi32, #tpu.memory_space<vmem>> -> memref<1x128xi32, #tpu.memory_space<vmem>>
    %dma_start3A_107 = tpu.memref_squeeze %dma_start3A_106 : memref<1x128xi32, #tpu.memory_space<vmem>> -> memref<128xi32, #tpu.memory_space<vmem>>
    %dma_start3A_108 = arith.constant 0 : i32
    %dma_start3A_109 = arith.constant 0 : i32
    %dma_start3A_110 = tpu.memref_slice %arg3[%dma_start3A_108, %dma_start3A_109] : memref<1000000x64xf32, #tpu.memory_space<hbm>> -> memref<1000000x64xf32, #tpu.memory_space<hbm>>
    tpu.enqueue_indirect_dma source(%dma_start3A_110 : memref<1000000x64xf32, #tpu.memory_space<hbm>>) target(%dma_start3A_104 : memref<128x64xf32, #tpu.memory_space<vmem>>) offsets(%dma_start3A_107 : memref<128xi32, #tpu.memory_space<vmem>>) semaphore(%arg16 : memref<!tpu.dma_semaphore, #tpu.memory_space<semaphore_mem>>)
    %dma_start3A_111 = arith.constant 3 : i32
    %dma_start3A_112 = arith.constant 384 : i32
    %dma_start3A_113 = arith.constant 0 : i32
    %dma_start3A_114 = tpu.memref_slice %arg12[%dma_start3A_112, %dma_start3A_113] : memref<512x64xf32, #tpu.memory_space<vmem>> -> memref<128x64xf32, #tpu.memory_space<vmem>>
    %dma_start3A_115 = arith.constant 0 : i32
    %dma_start3A_116 = tpu.memref_slice %arg9[%dma_start3A_111, %dma_start3A_115] : memref<4x128xi32, #tpu.memory_space<vmem>> -> memref<1x128xi32, #tpu.memory_space<vmem>>
    %dma_start3A_117 = tpu.memref_squeeze %dma_start3A_116 : memref<1x128xi32, #tpu.memory_space<vmem>> -> memref<128xi32, #tpu.memory_space<vmem>>
    %dma_start3A_118 = arith.constant 0 : i32
    %dma_start3A_119 = arith.constant 0 : i32
    %dma_start3A_120 = tpu.memref_slice %arg2[%dma_start3A_118, %dma_start3A_119] : memref<1000000x64xf32, #tpu.memory_space<hbm>> -> memref<1000000x64xf32, #tpu.memory_space<hbm>>
    tpu.enqueue_indirect_dma source(%dma_start3A_120 : memref<1000000x64xf32, #tpu.memory_space<hbm>>) target(%dma_start3A_114 : memref<128x64xf32, #tpu.memory_space<vmem>>) offsets(%dma_start3A_117 : memref<128xi32, #tpu.memory_space<vmem>>) semaphore(%arg16 : memref<!tpu.dma_semaphore, #tpu.memory_space<semaphore_mem>>)
    %dma_start3A_121 = arith.constant 3 : i32
    %dma_start3A_122 = arith.constant 384 : i32
    %dma_start3A_123 = arith.constant 0 : i32
    %dma_start3A_124 = tpu.memref_slice %arg13[%dma_start3A_122, %dma_start3A_123] : memref<512x64xf32, #tpu.memory_space<vmem>> -> memref<128x64xf32, #tpu.memory_space<vmem>>
    %dma_start3A_125 = arith.constant 0 : i32
    %dma_start3A_126 = tpu.memref_slice %arg10[%dma_start3A_121, %dma_start3A_125] : memref<4x128xi32, #tpu.memory_space<vmem>> -> memref<1x128xi32, #tpu.memory_space<vmem>>
    %dma_start3A_127 = tpu.memref_squeeze %dma_start3A_126 : memref<1x128xi32, #tpu.memory_space<vmem>> -> memref<128xi32, #tpu.memory_space<vmem>>
    %dma_start3A_128 = arith.constant 0 : i32
    %dma_start3A_129 = arith.constant 0 : i32
    %dma_start3A_130 = tpu.memref_slice %arg4[%dma_start3A_128, %dma_start3A_129] : memref<1000x64xf32, #tpu.memory_space<hbm>> -> memref<1000x64xf32, #tpu.memory_space<hbm>>
    tpu.enqueue_indirect_dma source(%dma_start3A_130 : memref<1000x64xf32, #tpu.memory_space<hbm>>) target(%dma_start3A_124 : memref<128x64xf32, #tpu.memory_space<vmem>>) offsets(%dma_start3A_127 : memref<128xi32, #tpu.memory_space<vmem>>) semaphore(%arg16 : memref<!tpu.dma_semaphore, #tpu.memory_space<semaphore_mem>>)
    %dma_start3A_131 = arith.constant 3 : i32
    %dma_start3A_132 = arith.constant 384 : i32
    %dma_start3A_133 = arith.constant 0 : i32
    %dma_start3A_134 = tpu.memref_slice %arg14[%dma_start3A_132, %dma_start3A_133] : memref<512x64xf32, #tpu.memory_space<vmem>> -> memref<128x64xf32, #tpu.memory_space<vmem>>
    %dma_start3A_135 = arith.constant 0 : i32
    %dma_start3A_136 = tpu.memref_slice %arg11[%dma_start3A_131, %dma_start3A_135] : memref<4x128xi32, #tpu.memory_space<vmem>> -> memref<1x128xi32, #tpu.memory_space<vmem>>
    %dma_start3A_137 = tpu.memref_squeeze %dma_start3A_136 : memref<1x128xi32, #tpu.memory_space<vmem>> -> memref<128xi32, #tpu.memory_space<vmem>>
    %dma_start3A_138 = arith.constant 0 : i32
    %dma_start3A_139 = arith.constant 0 : i32
    %dma_start3A_140 = tpu.memref_slice %arg3[%dma_start3A_138, %dma_start3A_139] : memref<1000000x64xf32, #tpu.memory_space<hbm>> -> memref<1000000x64xf32, #tpu.memory_space<hbm>>
    tpu.enqueue_indirect_dma source(%dma_start3A_140 : memref<1000000x64xf32, #tpu.memory_space<hbm>>) target(%dma_start3A_134 : memref<128x64xf32, #tpu.memory_space<vmem>>) offsets(%dma_start3A_137 : memref<128xi32, #tpu.memory_space<vmem>>) semaphore(%arg16 : memref<!tpu.dma_semaphore, #tpu.memory_space<semaphore_mem>>)
    %dma_wait3A = arith.constant 0 : i32
    %dma_wait3A_141 = arith.constant 0 : i32
    %dma_wait3A_142 = arith.constant 0 : i32
    %dma_wait3A_143 = tpu.memref_slice %arg12[%dma_wait3A_141, %dma_wait3A_142] : memref<512x64xf32, #tpu.memory_space<vmem>> -> memref<128x64xf32, #tpu.memory_space<vmem>>
    %dma_wait3A_144 = arith.constant 0 : i32
    %dma_wait3A_145 = tpu.memref_slice %arg9[%dma_wait3A, %dma_wait3A_144] : memref<4x128xi32, #tpu.memory_space<vmem>> -> memref<1x128xi32, #tpu.memory_space<vmem>>
    %dma_wait3A_146 = tpu.memref_squeeze %dma_wait3A_145 : memref<1x128xi32, #tpu.memory_space<vmem>> -> memref<128xi32, #tpu.memory_space<vmem>>
    %dma_wait3A_147 = arith.constant 0 : i32
    %dma_wait3A_148 = arith.constant 0 : i32
    %dma_wait3A_149 = tpu.memref_slice %arg2[%dma_wait3A_147, %dma_wait3A_148] : memref<1000000x64xf32, #tpu.memory_space<hbm>> -> memref<1000000x64xf32, #tpu.memory_space<hbm>>
    tpu.wait_indirect_dma semaphore(%arg16 : memref<!tpu.dma_semaphore, #tpu.memory_space<semaphore_mem>>) src(%dma_wait3A_149 : memref<1000000x64xf32, #tpu.memory_space<hbm>>) dst(%dma_wait3A_143 : memref<128x64xf32, #tpu.memory_space<vmem>>)
    %dma_wait3A_150 = arith.constant 0 : i32
    %dma_wait3A_151 = arith.constant 0 : i32
    %dma_wait3A_152 = arith.constant 0 : i32
    %dma_wait3A_153 = tpu.memref_slice %arg13[%dma_wait3A_151, %dma_wait3A_152] : memref<512x64xf32, #tpu.memory_space<vmem>> -> memref<128x64xf32, #tpu.memory_space<vmem>>
    %dma_wait3A_154 = arith.constant 0 : i32
    %dma_wait3A_155 = tpu.memref_slice %arg10[%dma_wait3A_150, %dma_wait3A_154] : memref<4x128xi32, #tpu.memory_space<vmem>> -> memref<1x128xi32, #tpu.memory_space<vmem>>
    %dma_wait3A_156 = tpu.memref_squeeze %dma_wait3A_155 : memref<1x128xi32, #tpu.memory_space<vmem>> -> memref<128xi32, #tpu.memory_space<vmem>>
    %dma_wait3A_157 = arith.constant 0 : i32
    %dma_wait3A_158 = arith.constant 0 : i32
    %dma_wait3A_159 = tpu.memref_slice %arg4[%dma_wait3A_157, %dma_wait3A_158] : memref<1000x64xf32, #tpu.memory_space<hbm>> -> memref<1000x64xf32, #tpu.memory_space<hbm>>
    tpu.wait_indirect_dma semaphore(%arg16 : memref<!tpu.dma_semaphore, #tpu.memory_space<semaphore_mem>>) src(%dma_wait3A_159 : memref<1000x64xf32, #tpu.memory_space<hbm>>) dst(%dma_wait3A_153 : memref<128x64xf32, #tpu.memory_space<vmem>>)
    %dma_wait3A_160 = arith.constant 0 : i32
    %dma_wait3A_161 = arith.constant 0 : i32
    %dma_wait3A_162 = arith.constant 0 : i32
    %dma_wait3A_163 = tpu.memref_slice %arg14[%dma_wait3A_161, %dma_wait3A_162] : memref<512x64xf32, #tpu.memory_space<vmem>> -> memref<128x64xf32, #tpu.memory_space<vmem>>
    %dma_wait3A_164 = arith.constant 0 : i32
    %dma_wait3A_165 = tpu.memref_slice %arg11[%dma_wait3A_160, %dma_wait3A_164] : memref<4x128xi32, #tpu.memory_space<vmem>> -> memref<1x128xi32, #tpu.memory_space<vmem>>
    %dma_wait3A_166 = tpu.memref_squeeze %dma_wait3A_165 : memref<1x128xi32, #tpu.memory_space<vmem>> -> memref<128xi32, #tpu.memory_space<vmem>>
    %dma_wait3A_167 = arith.constant 0 : i32
    %dma_wait3A_168 = arith.constant 0 : i32
    %dma_wait3A_169 = tpu.memref_slice %arg3[%dma_wait3A_167, %dma_wait3A_168] : memref<1000000x64xf32, #tpu.memory_space<hbm>> -> memref<1000000x64xf32, #tpu.memory_space<hbm>>
    tpu.wait_indirect_dma semaphore(%arg16 : memref<!tpu.dma_semaphore, #tpu.memory_space<semaphore_mem>>) src(%dma_wait3A_169 : memref<1000000x64xf32, #tpu.memory_space<hbm>>) dst(%dma_wait3A_163 : memref<128x64xf32, #tpu.memory_space<vmem>>)
    %dma_wait3A_170 = arith.constant 1 : i32
    %dma_wait3A_171 = arith.constant 128 : i32
    %dma_wait3A_172 = arith.constant 0 : i32
    %dma_wait3A_173 = tpu.memref_slice %arg12[%dma_wait3A_171, %dma_wait3A_172] : memref<512x64xf32, #tpu.memory_space<vmem>> -> memref<128x64xf32, #tpu.memory_space<vmem>>
    %dma_wait3A_174 = arith.constant 0 : i32
    %dma_wait3A_175 = tpu.memref_slice %arg9[%dma_wait3A_170, %dma_wait3A_174] : memref<4x128xi32, #tpu.memory_space<vmem>> -> memref<1x128xi32, #tpu.memory_space<vmem>>
    %dma_wait3A_176 = tpu.memref_squeeze %dma_wait3A_175 : memref<1x128xi32, #tpu.memory_space<vmem>> -> memref<128xi32, #tpu.memory_space<vmem>>
    %dma_wait3A_177 = arith.constant 0 : i32
    %dma_wait3A_178 = arith.constant 0 : i32
    %dma_wait3A_179 = tpu.memref_slice %arg2[%dma_wait3A_177, %dma_wait3A_178] : memref<1000000x64xf32, #tpu.memory_space<hbm>> -> memref<1000000x64xf32, #tpu.memory_space<hbm>>
    tpu.wait_indirect_dma semaphore(%arg16 : memref<!tpu.dma_semaphore, #tpu.memory_space<semaphore_mem>>) src(%dma_wait3A_179 : memref<1000000x64xf32, #tpu.memory_space<hbm>>) dst(%dma_wait3A_173 : memref<128x64xf32, #tpu.memory_space<vmem>>)
    %dma_wait3A_180 = arith.constant 1 : i32
    %dma_wait3A_181 = arith.constant 128 : i32
    %dma_wait3A_182 = arith.constant 0 : i32
    %dma_wait3A_183 = tpu.memref_slice %arg13[%dma_wait3A_181, %dma_wait3A_182] : memref<512x64xf32, #tpu.memory_space<vmem>> -> memref<128x64xf32, #tpu.memory_space<vmem>>
    %dma_wait3A_184 = arith.constant 0 : i32
    %dma_wait3A_185 = tpu.memref_slice %arg10[%dma_wait3A_180, %dma_wait3A_184] : memref<4x128xi32, #tpu.memory_space<vmem>> -> memref<1x128xi32, #tpu.memory_space<vmem>>
    %dma_wait3A_186 = tpu.memref_squeeze %dma_wait3A_185 : memref<1x128xi32, #tpu.memory_space<vmem>> -> memref<128xi32, #tpu.memory_space<vmem>>
    %dma_wait3A_187 = arith.constant 0 : i32
    %dma_wait3A_188 = arith.constant 0 : i32
    %dma_wait3A_189 = tpu.memref_slice %arg4[%dma_wait3A_187, %dma_wait3A_188] : memref<1000x64xf32, #tpu.memory_space<hbm>> -> memref<1000x64xf32, #tpu.memory_space<hbm>>
    tpu.wait_indirect_dma semaphore(%arg16 : memref<!tpu.dma_semaphore, #tpu.memory_space<semaphore_mem>>) src(%dma_wait3A_189 : memref<1000x64xf32, #tpu.memory_space<hbm>>) dst(%dma_wait3A_183 : memref<128x64xf32, #tpu.memory_space<vmem>>)
    %dma_wait3A_190 = arith.constant 1 : i32
    %dma_wait3A_191 = arith.constant 128 : i32
    %dma_wait3A_192 = arith.constant 0 : i32
    %dma_wait3A_193 = tpu.memref_slice %arg14[%dma_wait3A_191, %dma_wait3A_192] : memref<512x64xf32, #tpu.memory_space<vmem>> -> memref<128x64xf32, #tpu.memory_space<vmem>>
    %dma_wait3A_194 = arith.constant 0 : i32
    %dma_wait3A_195 = tpu.memref_slice %arg11[%dma_wait3A_190, %dma_wait3A_194] : memref<4x128xi32, #tpu.memory_space<vmem>> -> memref<1x128xi32, #tpu.memory_space<vmem>>
    %dma_wait3A_196 = tpu.memref_squeeze %dma_wait3A_195 : memref<1x128xi32, #tpu.memory_space<vmem>> -> memref<128xi32, #tpu.memory_space<vmem>>
    %dma_wait3A_197 = arith.constant 0 : i32
    %dma_wait3A_198 = arith.constant 0 : i32
    %dma_wait3A_199 = tpu.memref_slice %arg3[%dma_wait3A_197, %dma_wait3A_198] : memref<1000000x64xf32, #tpu.memory_space<hbm>> -> memref<1000000x64xf32, #tpu.memory_space<hbm>>
    tpu.wait_indirect_dma semaphore(%arg16 : memref<!tpu.dma_semaphore, #tpu.memory_space<semaphore_mem>>) src(%dma_wait3A_199 : memref<1000000x64xf32, #tpu.memory_space<hbm>>) dst(%dma_wait3A_193 : memref<128x64xf32, #tpu.memory_space<vmem>>)
    %dma_wait3A_200 = arith.constant 2 : i32
    %dma_wait3A_201 = arith.constant 256 : i32
    %dma_wait3A_202 = arith.constant 0 : i32
    %dma_wait3A_203 = tpu.memref_slice %arg12[%dma_wait3A_201, %dma_wait3A_202] : memref<512x64xf32, #tpu.memory_space<vmem>> -> memref<128x64xf32, #tpu.memory_space<vmem>>
    %dma_wait3A_204 = arith.constant 0 : i32
    %dma_wait3A_205 = tpu.memref_slice %arg9[%dma_wait3A_200, %dma_wait3A_204] : memref<4x128xi32, #tpu.memory_space<vmem>> -> memref<1x128xi32, #tpu.memory_space<vmem>>
    %dma_wait3A_206 = tpu.memref_squeeze %dma_wait3A_205 : memref<1x128xi32, #tpu.memory_space<vmem>> -> memref<128xi32, #tpu.memory_space<vmem>>
    %dma_wait3A_207 = arith.constant 0 : i32
    %dma_wait3A_208 = arith.constant 0 : i32
    %dma_wait3A_209 = tpu.memref_slice %arg2[%dma_wait3A_207, %dma_wait3A_208] : memref<1000000x64xf32, #tpu.memory_space<hbm>> -> memref<1000000x64xf32, #tpu.memory_space<hbm>>
    tpu.wait_indirect_dma semaphore(%arg16 : memref<!tpu.dma_semaphore, #tpu.memory_space<semaphore_mem>>) src(%dma_wait3A_209 : memref<1000000x64xf32, #tpu.memory_space<hbm>>) dst(%dma_wait3A_203 : memref<128x64xf32, #tpu.memory_space<vmem>>)
    %dma_wait3A_210 = arith.constant 2 : i32
    %dma_wait3A_211 = arith.constant 256 : i32
    %dma_wait3A_212 = arith.constant 0 : i32
    %dma_wait3A_213 = tpu.memref_slice %arg13[%dma_wait3A_211, %dma_wait3A_212] : memref<512x64xf32, #tpu.memory_space<vmem>> -> memref<128x64xf32, #tpu.memory_space<vmem>>
    %dma_wait3A_214 = arith.constant 0 : i32
    %dma_wait3A_215 = tpu.memref_slice %arg10[%dma_wait3A_210, %dma_wait3A_214] : memref<4x128xi32, #tpu.memory_space<vmem>> -> memref<1x128xi32, #tpu.memory_space<vmem>>
    %dma_wait3A_216 = tpu.memref_squeeze %dma_wait3A_215 : memref<1x128xi32, #tpu.memory_space<vmem>> -> memref<128xi32, #tpu.memory_space<vmem>>
    %dma_wait3A_217 = arith.constant 0 : i32
    %dma_wait3A_218 = arith.constant 0 : i32
    %dma_wait3A_219 = tpu.memref_slice %arg4[%dma_wait3A_217, %dma_wait3A_218] : memref<1000x64xf32, #tpu.memory_space<hbm>> -> memref<1000x64xf32, #tpu.memory_space<hbm>>
    tpu.wait_indirect_dma semaphore(%arg16 : memref<!tpu.dma_semaphore, #tpu.memory_space<semaphore_mem>>) src(%dma_wait3A_219 : memref<1000x64xf32, #tpu.memory_space<hbm>>) dst(%dma_wait3A_213 : memref<128x64xf32, #tpu.memory_space<vmem>>)
    %dma_wait3A_220 = arith.constant 2 : i32
    %dma_wait3A_221 = arith.constant 256 : i32
    %dma_wait3A_222 = arith.constant 0 : i32
    %dma_wait3A_223 = tpu.memref_slice %arg14[%dma_wait3A_221, %dma_wait3A_222] : memref<512x64xf32, #tpu.memory_space<vmem>> -> memref<128x64xf32, #tpu.memory_space<vmem>>
    %dma_wait3A_224 = arith.constant 0 : i32
    %dma_wait3A_225 = tpu.memref_slice %arg11[%dma_wait3A_220, %dma_wait3A_224] : memref<4x128xi32, #tpu.memory_space<vmem>> -> memref<1x128xi32, #tpu.memory_space<vmem>>
    %dma_wait3A_226 = tpu.memref_squeeze %dma_wait3A_225 : memref<1x128xi32, #tpu.memory_space<vmem>> -> memref<128xi32, #tpu.memory_space<vmem>>
    %dma_wait3A_227 = arith.constant 0 : i32
    %dma_wait3A_228 = arith.constant 0 : i32
    %dma_wait3A_229 = tpu.memref_slice %arg3[%dma_wait3A_227, %dma_wait3A_228] : memref<1000000x64xf32, #tpu.memory_space<hbm>> -> memref<1000000x64xf32, #tpu.memory_space<hbm>>
    tpu.wait_indirect_dma semaphore(%arg16 : memref<!tpu.dma_semaphore, #tpu.memory_space<semaphore_mem>>) src(%dma_wait3A_229 : memref<1000000x64xf32, #tpu.memory_space<hbm>>) dst(%dma_wait3A_223 : memref<128x64xf32, #tpu.memory_space<vmem>>)
    %dma_wait3A_230 = arith.constant 3 : i32
    %dma_wait3A_231 = arith.constant 384 : i32
    %dma_wait3A_232 = arith.constant 0 : i32
    %dma_wait3A_233 = tpu.memref_slice %arg12[%dma_wait3A_231, %dma_wait3A_232] : memref<512x64xf32, #tpu.memory_space<vmem>> -> memref<128x64xf32, #tpu.memory_space<vmem>>
    %dma_wait3A_234 = arith.constant 0 : i32
    %dma_wait3A_235 = tpu.memref_slice %arg9[%dma_wait3A_230, %dma_wait3A_234] : memref<4x128xi32, #tpu.memory_space<vmem>> -> memref<1x128xi32, #tpu.memory_space<vmem>>
    %dma_wait3A_236 = tpu.memref_squeeze %dma_wait3A_235 : memref<1x128xi32, #tpu.memory_space<vmem>> -> memref<128xi32, #tpu.memory_space<vmem>>
    %dma_wait3A_237 = arith.constant 0 : i32
    %dma_wait3A_238 = arith.constant 0 : i32
    %dma_wait3A_239 = tpu.memref_slice %arg2[%dma_wait3A_237, %dma_wait3A_238] : memref<1000000x64xf32, #tpu.memory_space<hbm>> -> memref<1000000x64xf32, #tpu.memory_space<hbm>>
    tpu.wait_indirect_dma semaphore(%arg16 : memref<!tpu.dma_semaphore, #tpu.memory_space<semaphore_mem>>) src(%dma_wait3A_239 : memref<1000000x64xf32, #tpu.memory_space<hbm>>) dst(%dma_wait3A_233 : memref<128x64xf32, #tpu.memory_space<vmem>>)
    %dma_wait3A_240 = arith.constant 3 : i32
    %dma_wait3A_241 = arith.constant 384 : i32
    %dma_wait3A_242 = arith.constant 0 : i32
    %dma_wait3A_243 = tpu.memref_slice %arg13[%dma_wait3A_241, %dma_wait3A_242] : memref<512x64xf32, #tpu.memory_space<vmem>> -> memref<128x64xf32, #tpu.memory_space<vmem>>
    %dma_wait3A_244 = arith.constant 0 : i32
    %dma_wait3A_245 = tpu.memref_slice %arg10[%dma_wait3A_240, %dma_wait3A_244] : memref<4x128xi32, #tpu.memory_space<vmem>> -> memref<1x128xi32, #tpu.memory_space<vmem>>
    %dma_wait3A_246 = tpu.memref_squeeze %dma_wait3A_245 : memref<1x128xi32, #tpu.memory_space<vmem>> -> memref<128xi32, #tpu.memory_space<vmem>>
    %dma_wait3A_247 = arith.constant 0 : i32
    %dma_wait3A_248 = arith.constant 0 : i32
    %dma_wait3A_249 = tpu.memref_slice %arg4[%dma_wait3A_247, %dma_wait3A_248] : memref<1000x64xf32, #tpu.memory_space<hbm>> -> memref<1000x64xf32, #tpu.memory_space<hbm>>
    tpu.wait_indirect_dma semaphore(%arg16 : memref<!tpu.dma_semaphore, #tpu.memory_space<semaphore_mem>>) src(%dma_wait3A_249 : memref<1000x64xf32, #tpu.memory_space<hbm>>) dst(%dma_wait3A_243 : memref<128x64xf32, #tpu.memory_space<vmem>>)
    %dma_wait3A_250 = arith.constant 3 : i32
    %dma_wait3A_251 = arith.constant 384 : i32
    %dma_wait3A_252 = arith.constant 0 : i32
    %dma_wait3A_253 = tpu.memref_slice %arg14[%dma_wait3A_251, %dma_wait3A_252] : memref<512x64xf32, #tpu.memory_space<vmem>> -> memref<128x64xf32, #tpu.memory_space<vmem>>
    %dma_wait3A_254 = arith.constant 0 : i32
    %dma_wait3A_255 = tpu.memref_slice %arg11[%dma_wait3A_250, %dma_wait3A_254] : memref<4x128xi32, #tpu.memory_space<vmem>> -> memref<1x128xi32, #tpu.memory_space<vmem>>
    %dma_wait3A_256 = tpu.memref_squeeze %dma_wait3A_255 : memref<1x128xi32, #tpu.memory_space<vmem>> -> memref<128xi32, #tpu.memory_space<vmem>>
    %dma_wait3A_257 = arith.constant 0 : i32
    %dma_wait3A_258 = arith.constant 0 : i32
    %dma_wait3A_259 = tpu.memref_slice %arg3[%dma_wait3A_257, %dma_wait3A_258] : memref<1000000x64xf32, #tpu.memory_space<hbm>> -> memref<1000000x64xf32, #tpu.memory_space<hbm>>
    tpu.wait_indirect_dma semaphore(%arg16 : memref<!tpu.dma_semaphore, #tpu.memory_space<semaphore_mem>>) src(%dma_wait3A_259 : memref<1000000x64xf32, #tpu.memory_space<hbm>>) dst(%dma_wait3A_253 : memref<128x64xf32, #tpu.memory_space<vmem>>)
    %iota3A = tpu.iota {dimensions = array<i32: 0>} : vector<16xi32>
    %scan3A = arith.constant 0 : i32
    %scan3A_260 = arith.constant 32 : i32
    %scan3A_261 = arith.addi %scan3A, %scan3A_260 : i32
    %scan3A_262 = arith.constant 1 : i32
    scf.for %scan3A_264 = %scan3A to %scan3A_261 step %scan3A_262  : i32 {
      %mul3A_265 = arith.constant 16 : i32
      %mul3A_266 = arith.muli %scan3A_264, %mul3A_265 : i32
      %add3A_267 = vector.broadcast %mul3A_266 : i32 to vector<16xi32>
      %add3A_268 = arith.addi %add3A_267, %iota3A : vector<16xi32>
      %broadcast_in_dim3A = arith.constant 0.000000e+00 : f32
      %broadcast_in_dim3A_269 = vector.broadcast %broadcast_in_dim3A : f32 to vector<16xf32>
      %scan3A_270 = arith.constant 0 : i32
      %scan3A_271 = arith.constant 64 : i32
      %scan3A_272 = arith.addi %scan3A_270, %scan3A_271 : i32
      %scan3A_273 = arith.constant 1 : i32
      %scan3A_274 = scf.for %scan3A_281 = %scan3A_270 to %scan3A_272 step %scan3A_273 iter_args(%scan3A_282 = %broadcast_in_dim3A_269) -> (vector<16xf32>)  : i32 {
        %broadcast_in_dim3A_283 = vector.broadcast %scan3A_281 : i32 to vector<16xi32>
        %gather3A = tpu.vector_load_idx %arg12[%add3A_268, %broadcast_in_dim3A_283] : memref<512x64xf32, #tpu.memory_space<vmem>>[vector<16xi32>, vector<16xi32>], vector<16xf32>,
        %gather3A_284 = tpu.vector_load_idx %arg13[%add3A_268, %broadcast_in_dim3A_283] : memref<512x64xf32, #tpu.memory_space<vmem>>[vector<16xi32>, vector<16xi32>], vector<16xf32>,
        %gather3A_285 = tpu.vector_load_idx %arg14[%add3A_268, %broadcast_in_dim3A_283] : memref<512x64xf32, #tpu.memory_space<vmem>>[vector<16xi32>, vector<16xi32>], vector<16xf32>,
        %add3A_286 = arith.addf %gather3A, %gather3A_284 : vector<16xf32>
        %sub3A = arith.subf %add3A_286, %gather3A_285 : vector<16xf32>
        %abs3A = math.absf %sub3A : vector<16xf32>
        %add3A_287 = arith.addf %scan3A_282, %abs3A : vector<16xf32>
        scf.yield %add3A_287 : vector<16xf32>
      }
      %scan3A_275 = arith.constant 64 : i32
      %neg3A = arith.constant 0.000000e+00 : f32
      %neg3A_276 = vector.broadcast %neg3A : f32 to vector<16xf32>
      %neg3A_277 = arith.subf %neg3A_276, %scan3A_274 : vector<16xf32>
      %mul3A_278 = arith.constant 16 : i32
      %mul3A_279 = arith.muli %scan3A_264, %mul3A_278 : i32
      %swap3A = arith.index_cast %mul3A_279 : i32 to index
      %swap3A_280 = tpu.vector_load %arg15[%swap3A] {strides = array<i32>} : memref<512xf32, #tpu.memory_space<vmem>>, vector<16xf32>,
      tpu.vector_store %arg15[%swap3A], %neg3A_277 {strides = array<i32>} : memref<512xf32, #tpu.memory_space<vmem>>, vector<16xf32>,
    }
    %scan3A_263 = arith.constant 32 : i32
    "tpu.region"() ({
      %run_scoped3A_264 = tpu.sem_alloc : memref<!tpu.dma_semaphore, #tpu.memory_space<semaphore_mem>>
      %dma_start3A_265 = tpu.memref_slice %arg8[%mul3A_2] : memref<16384xf32, #tpu.memory_space<hbm>> -> memref<512xf32, #tpu.memory_space<hbm>>
      %dma_start3A_266 = tpu.memref_slice %arg8[%mul3A_2] : memref<16384xf32, #tpu.memory_space<hbm>> -> memref<512xf32, #tpu.memory_space<hbm>>
      tpu.enqueue_dma source(%arg15 : memref<512xf32, #tpu.memory_space<vmem>>) target(%dma_start3A_266 : memref<512xf32, #tpu.memory_space<hbm>>) target_semaphore(%run_scoped3A_264 : memref<!tpu.dma_semaphore, #tpu.memory_space<semaphore_mem>>)
      %dma_wait3A_267 = tpu.memref_slice %arg8[%mul3A_2] : memref<16384xf32, #tpu.memory_space<hbm>> -> memref<512xf32, #tpu.memory_space<hbm>>
      %dma_wait3A_268 = tpu.memref_slice %arg8[%mul3A_2] : memref<16384xf32, #tpu.memory_space<hbm>> -> memref<512xf32, #tpu.memory_space<hbm>>
      tpu.wait_dma2 semaphore(%run_scoped3A_264 : memref<!tpu.dma_semaphore, #tpu.memory_space<semaphore_mem>>) src(%arg15 : memref<512xf32, #tpu.memory_space<vmem>>) dst(%dma_wait3A_268 : memref<512xf32, #tpu.memory_space<hbm>>)
      tpu.yield
    }) : () -> ()
    return
  }
}

</mosaic_0001>

<sc_bundles>
// kernel: kernel.3.cloned.1.call-start
scs
__scs_entry_jumppad:
0x0: {  	(pc) =	sbr.rel $0x88, $3  }
0x1: {  	(tag) =	ssettag $0x0;
	lr =	simm.s32 $0x1  }
0x2: {  	[smem:$0x3F9B] =	sst lr;
	_ =	strace $0xD0000000  }
0x3: {  	_ = 	snop  }
0x4: {  	_ = 	snop  }
0x5: {  	_ = 	snop  }
0x6: {  	_ = 	snop  }
0x7: {  	_ = 	snop  }
__scs_overlays_trampoline_lowered:
0x8: {  	[smem:$0x3FAA] =	sst s0  }
0x9: {  	[smem:$0x3FAB] =	sst s1  }
0xa: {  	[smem:$0x3FAC] =	sst s2  }
0xb: {  	[smem:$0x3FAD] =	sst s3  }
0xc: {  	[smem:$0x3FAE] =	sst s4  }
0xd: {  	[smem:$0x3FAF] =	sst s5  }
0xe: {  	[smem:$0x3FB0] =	sst s6  }
0xf: {  	[smem:$0x3FB1] =	sst s7  }
0x10: {  	[smem:$0x3FB2] =	sst s8  }
0x11: {  	[smem:$0x3FB3] =	sst s9;
	s0 =	simm.s32 @!p0 $0x0  }
0x12: {  	s1 =	sld [smem:$0x3F99];
	s0 =	simm.s32 @p0 $0x1  }
0x13: {  	[smem:$0x3FB4] =	sst s0;
	s0 =	simm.s32 @!p1 $0x0  }
0x14: {  	s2 =	sld [smem:$0x3F98];
	s0 =	simm.s32 @p1 $0x1  }
0x15: {  	[smem:$0x3FB5] =	sst s0;
	s0 =	simm.s32 @!p2 $0x0  }
0x16: {  	s3 =	sld [smem:$0x3FDB];
	s0 =	simm.s32 @p2 $0x1  }
0x17: {  	s4 =	simm.s32 $0x1BF5;
	[smem:$0x3FB7] =	sst s0  }
0x18: {  	s0 =	sld [smem:$0x3F9A];
	_ =	swait.ge [sflag:s4], $0x0  }
0x19: {  	s7 =	sld [smem:$0x3F9B]  }
0x1a: {  	s8 =	sadd.s32 $0xFFFFE003, lr  }
0x1b: {  	s9 =	sadd.s32 $0xFFFFFEF7, lr;
	s5 =	simm.s32 $0xFFFFFFFF;
	p2 =	slt.u32 s8, $0xFFFFF086  }
0x1c: {  	p1 =	slt.u32 s9, $0xF7A;
	s5 =	simm.s32 @!p2 $0x0  }
0x1d: {  	s5 =	simm.s32 @p1 $0x1;
	p0 =	seq.s32 s7, s2  }
0x1e: {  	s7 =	smul.u32 @!p0 $0xF7A, s2;
	p2 =	seq.s32 @!p0 s5, $0x0  }
0x1f: {  	s9 =	smul.u32 $0xF7A, s1;
	s8 =	simm.s32 @!p0 $0x1BF5;
	p2 =	por !p2, p0  }
0x20: {  	[sflag:s8] =	ssyncset.s32 @!p0 $0xFFFFF086;
	s6 =	sadd.s32 @!p0 s3, s7;
	s7 =	simm.s32 @!p0 $0x108  }
0x21: {  	s3 =	sadd.s32 s3, s9;
	s6 =	sadd.s32 @!p0 $0x88, s6;
	s7 =	simm.s32 @p2 $0x1082  }
0x22: {  	[simem:s7], [sflag:s8] =	dma.local @!p0 [hbm:s6], $0xF7A  }
0x23: {  	s9 =	sor.u32 $0xD0000000, s2;
	s6 =	simm.s32 $0x108;
	_ =	swait.ge @!p0 [sflag:s8], $0x0  }
0x24: {  	s3 =	sadd.s32 $0x88, s3;
	s6 =	simm.s32 @!p1 $0x1082;
	[sflag:s4] =	ssyncset.s32 $0xFFFFF086  }
0x25: {  	[simem:s6], [sflag:s4] =	dma.local [hbm:s3], $0xF7A  }
0x26: {  	[smem:$0x3F9B] =	sst s1;
	(tag) =	ssettag s2;
	_ =	strace s9  }
0x27: {  	s1 =	sld [smem:$0x3FAB]  }
0x28: {  	s2 =	sld [smem:$0x3FAC]  }
0x29: {  	s4 =	sld [smem:$0x3FAE]  }
0x2a: {  	p0 =	seq.s32 s5, $0x0;
	s5 =	sld [smem:$0x3FAF]  }
0x2b: {  	s6 =	sld [smem:$0x3FB0]  }
0x2c: {  	s7 =	sld [smem:$0x3FB1]  }
0x2d: {  	s3 =	simm.s32 $0x108;
	s8 =	sld [smem:$0x3FB2]  }
0x2e: {  	s3 =	simm.s32 @!p0 $0x1082;
	s9 =	sld [smem:$0x3FB3]  }
0x2f: {  	lr =	sadd.s32 s0, s3;
	s0 =	sld [smem:$0x3FAA]  }
0x30: {  	s3 =	sld [smem:$0x3FAD]  }
0x31: {  	[smem:$0x3FB6] =	sst s10  }
0x32: {  	s10 =	sld [smem:$0x3FB4];
	_ =	sdelay $0x3  }
0x33: {  	p0 =	seq.s32 s10, $0x1;
	s10 =	sld [smem:$0x3FB6];
	_ =	sdelay $0x3  }
0x34: {  	[smem:$0x3FB6] =	sst s10  }
0x35: {  	s10 =	sld [smem:$0x3FB5];
	_ =	sdelay $0x3  }
0x36: {  	p1 =	seq.s32 s10, $0x1;
	s10 =	sld [smem:$0x3FB6];
	_ =	sdelay $0x3  }
0x37: {  	[smem:$0x3FB6] =	sst s10  }
0x38: {  	s10 =	sld [smem:$0x3FB7]  }
0x39: {  	_ = 	snop;
	(pc) =	sbr.ind lr, $3  }
0x3a: {  	_ = 	snop  }
0x3b: {  	_ = 	snop  }
0x3c: {  	p2 =	seq.s32 s10, $0x1;
	s10 =	sld [smem:$0x3FB6]  }
0x3d: {  	_ =	shalt  }
0x3e: {  	_ =	shalt  }
0x3f: {  	_ =	shalt  }
0x40: {  	_ =	shalt  }
0x41: {  	_ =	shalt  }
0x42: {  	_ =	shalt  }
0x43: {  	_ =	shalt  }
0x44: {  	_ =	shalt  }
0x45: {  	_ =	shalt  }
0x46: {  	_ =	shalt  }
0x47: {  	_ =	shalt  }
0x48: {  	_ =	shalt  }
0x49: {  	_ =	shalt  }
0x4a: {  	_ =	shalt  }
0x4b: {  	_ =	shalt  }
0x4c: {  	_ =	shalt  }
0x4d: {  	_ =	shalt  }
0x4e: {  	_ =	shalt  }
0x4f: {  	_ =	shalt  }
0x50: {  	_ =	shalt  }
0x51: {  	_ =	shalt  }
0x52: {  	_ =	shalt  }
0x53: {  	_ =	shalt  }
0x54: {  	_ =	shalt  }
0x55: {  	_ =	shalt  }
0x56: {  	_ =	shalt  }
0x57: {  	_ =	shalt  }
0x58: {  	_ =	shalt  }
0x59: {  	_ =	shalt  }
0x5a: {  	_ =	shalt  }
0x5b: {  	_ =	shalt  }
0x5c: {  	_ =	shalt  }
0x5d: {  	_ =	shalt  }
0x5e: {  	_ =	shalt  }
0x5f: {  	_ =	shalt  }
0x60: {  	_ =	shalt  }
0x61: {  	_ =	shalt  }
0x62: {  	_ =	shalt  }
0x63: {  	_ =	shalt  }
0x64: {  	_ =	shalt  }
0x65: {  	_ =	shalt  }
0x66: {  	_ =	shalt  }
0x67: {  	_ =	shalt  }
0x68: {  	_ =	shalt  }
0x69: {  	_ =	shalt  }
0x6a: {  	_ =	shalt  }
0x6b: {  	_ =	shalt  }
0x6c: {  	_ =	shalt  }
0x6d: {  	_ =	shalt  }
0x6e: {  	_ =	shalt  }
0x6f: {  	_ =	shalt  }
0x70: {  	_ =	shalt  }
0x71: {  	_ =	shalt  }
0x72: {  	_ =	shalt  }
0x73: {  	_ =	shalt  }
0x74: {  	_ =	shalt  }
0x75: {  	_ =	shalt  }
0x76: {  	_ =	shalt  }
0x77: {  	_ =	shalt  }
0x78: {  	_ =	shalt  }
0x79: {  	_ =	shalt  }
0x7a: {  	_ =	shalt  }
0x7b: {  	_ =	shalt  }
0x7c: {  	_ =	shalt  }
0x7d: {  	_ =	shalt  }
0x7e: {  	_ =	shalt  }
0x7f: {  	_ =	shalt  }
0x80: {  	_ =	shalt  }
0x81: {  	_ =	shalt  }
0x82: {  	_ =	shalt  }
0x83: {  	_ =	shalt  }
0x84: {  	_ =	shalt  }
0x85: {  	_ =	shalt  }
0x86: {  	_ =	shalt  }
0x87: {  	_ =	shalt  }
.Lfunc_end0:
.L_simem_size_0:
called_computation_lowered:
.L_overlay_start_0:
0x88: {  	s2 =	sld [smem:$0x3FD9]  }
0x89: {  	s3 =	sld [smem:$0x3FFE];
	_ =	sdelay $0x1  }
0x8a: {  	s1 =	srdreg.scid  }
0x8b: {  	s0 =	sand.u32 $0x1, s1  }
0x8c: {  	s17 =	sshll.u32 s0, $0xA;
	s2 =	sadd.s32 s3, s2  }
0x8d: {  	s2 =	sadd.s32 s2, s17  }
0x8e: {  	[smem:$0x3FC2] =	sst s2  }
0x8f: {  	_ = 	snop  }
0x90: {  	s2 =	sld [smem:$0x3FC6]  }
0x91: {  	s18 =	sld [smem:$0x3FC5]  }
0x92: {  	s4 =	sld [smem:$0x3FC4]  }
0x93: {  	s5 =	sld [smem:$0x3FD0];
	(tm) =	ssettm $0x1  }
0x94: {  	s6 =	sld [smem:$0x3FFB];
	_ =	sdelay $0x3  }
0x95: {  	_ =	strace s6  }
0x96: {  	s6 =	sld [smem:$0x3FFC];
	_ =	sdelay $0x3  }
0x97: {  	_ =	strace s6  }
0x98: {  	s6 =	sld [smem:$0x3FFD];
	_ =	sdelay $0x3  }
0x99: {  	_ =	strace s6  }
0x9a: {  	_ =	strace $0x8FFFFFFF  }
0x9b: {  	s19 =	sld [smem:$0x3FDB];
	_ =	sdelay $0x1  }
0x9c: {  	s7 =	simm.s32 $_scs_section_size  }
0x9d: {  	s8 =	simm.s32 $_size__tile_overlayer_lowered;
	s9 =	simm.s32 $_tile_overlayer_lowered  }
0x9e: {  	s22 =	simm.s32 $0x1BFF;
	s21 =	sshll.u32 s9, $0x1;
	s6 =	sadd.s32 s7, s19  }
0x9f: {  	s10 =	simm.s32 $0x0;
	s20 =	sshll.u32 s8, $0x1;
	s8 =	sadd.s32 s21, s6  }
0xa0: {  	[timem:s10], [sflag:s22] =	dma.local [hbm:s8], s20  }
0xa1: {  	_ =	swait.ge [sflag:s22], s20  }
0xa2: {  	s7 =	ssub.s32 $0x0, s20;
	[sflag:s22] =	ssyncset.done $0x0  }
0xa3: {  	[sflag:s22] =	ssyncadd.s32 s7;
	_ =	sdelay $0x1  }
0xa4: {  	s23 =	simm.s32 $0x1B8B  }
0xa5: {  	_ =	swait.ge [sflag:s23], $0x1  }
0xa6: {  	[sflag:s23] =	ssyncset.done $0x0  }
0xa7: {  	s25 =	simm.s32 $0x1B8E;
	s24 =	sld [smem:$0x3FFE];
	[sflag:s23] =	ssyncadd.s32 $0xFFFFFFFF  }
0xa8: {  	s26 =	simm.s32 $execute0_lowered;
	[smem:$0x3FD2] =	sst s25  }
0xa9: {  	s8 =	sshll.u32 s26, $0x1;
	_ =	strace $0x80000046;
	[dreg:$0x1] =	wrdreg $0xFFFFFFFF  }
0xaa: {  	s28 =	simm.s32 $_size_execute0_lowered;
	s6 =	sadd.s32 s6, s8;
	[dreg:$0x0] =	wrdreg $0x0  }
0xab: {  	s8 =	sshll.u32 s28, $0x1;
	[dreg:$0x2] =	wrdreg s6  }
0xac: {  	[dreg:$0x3] =	wrdreg s8  }
0xad: {  	[dreg:$0x4] =	wrdreg $0xC0  }
0xae: {  	_ =	task [dreg:s10], $0x5FFFF  }
0xaf: {  	[dreg:$0x1] =	wrdreg $0xFFFFFFFF  }
0xb0: {  	[dreg:$0x0] =	wrdreg $0x60  }
0xb1: {  	[dreg:$0x2] =	wrdreg s24  }
0xb2: {  	[dreg:$0x3] =	wrdreg s2  }
0xb3: {  	[dreg:$0x4] =	wrdreg s18  }
0xb4: {  	[dreg:$0x5] =	wrdreg s4  }
0xb5: {  	[dreg:$0x6] =	wrdreg s5  }
0xb6: {  	[dreg:$0x7] =	wrdreg $0x9  }
0xb7: {  	_ =	task.clear_ibuf [dreg:s10], $0x8FFFF;
	_ =	strace $0x90000046  }
0xb8: {  	s29 =	simm.s32 $0x9;
	_ =	strace $0x80000048  }
0xb9: {  	_ =	swait.ge [sflag:s29], $0x1  }
0xba: {  	[sflag:s29] =	ssyncadd.s32 $0xFFFFFFFF  }
0xbb: {  	_ =	strace $0x90000048  }
0xbc: {  	_ =	sfence  }
0xbd: {  	s30 =	sld [smem:$0x0];
	_ =	sdelay $0x2  }
0xbe: {  	s31 =	sshll.u32 s1, $0xD;
	s1 =	sshrl.u32 s1, $0x2  }
0xbf: {  	s3 =	sand.u32 $0x4000, s31;
	s1 =	sadd.s32 s1, s30  }
0xc0: {  	s0 =	sor.u32 s3, s0;
	s1 =	sshll.u32 s1, $0x11  }
0xc1: {  	s0 =	sor.u32 s1, s0  }
0xc2: {  	s0 =	sadd.s32 $0x8F2B, s0  }
0xc3: {  	[sflag:s0] =	ssyncadd.remote.s32 $0x1  }
0xc4: {  	_ =	sfence.sel $0xFFFF  }
0xc5: {  	[dreg:$0x0] =	wrdreg $0xFFFFFFFF;
	(pc) =	sbr.abs _section_cstart, $3  }
0xc6: {  	[dreg:$0x1] =	wrdreg $0xFFFFFFFF  }
0xc7: {  	_ =	task.clear_ibuf [dreg:s10], $0x2FFFF;
	_ =	strace $0x9FFFFFFF  }
0xc8: {  	(tm) =	ssettm $0x7FFFFFFF  }
0xc9: {  	_ =	shalt  }
tec
execute0_lowered:
.L_overlay_start_1:
0x0: {  	(tag) =	ssettag $0x1  }
0x1: {  	s0 =	rddreg [dreg:$0x0]  }
0x2: {  	s2 =	rddreg [dreg:$0x1]  }
0x3: {  	s6 =	rddreg [dreg:$0x2]  }
0x4: {  	s7 =	rddreg [dreg:$0x3]  }
0x5: {  	s8 =	rddreg [dreg:$0x4];
	s1 =	simm.s32 $0x0;
	s5 =	srdreg.scid  }
0x6: {  	s10 =	stileid.u32;
	s28 =	simm.s32 $0x300;
	s29 =	simm.s32 $0x500  }
0x7: {  	s30 =	simm.s32 $0x180;
	s31 =	simm.s32 $0x380;
	[smem:$0x7FF] =	sst s1  }
0x8: {  	s3 =	sadd.s32 $0x16E3C00, s0;
	s4 =	sadd.s32 $0xF42A00, s0;
	s5 =	sand.u32 $0x1, s5  }
0x9: {  	s10 =	sshll.u32 s10, $0x7;
	s9 =	ssub.s32 $0x2, s5;
	s11 =	sshll.u32 s5, $0x6  }
0xa: {  	_ =	strace $0x80000047;
	s18 =	sshrl.u32 s9, $0x1;
	s10 =	sor.u32 s11, s10  }
0xb: {  	s5 =	sadd.s32 $0x600, s0;
	s0 =	ssub.s32 s9, s18;
	s19 =	sadd.s32 s2, s10  }
0xc: {  	s20 =	sor.u32 $0x10, s10;
	s11 =	sadd.s32 s6, s10;
	s21 =	sadd.s32 s7, s10  }
0xd: {  	s24 =	sor.u32 $0x20, s10;
	s26 =	sor.u32 $0x30, s10;
	[dreg:$0x6] =	wrdreg s19  }
0xe: {  	s18 =	sadd.s32 s8, s10;
	s8 =	simm.s32 $0x1;
	[dreg:$0x7] =	wrdreg s11  }
0xf: {  	[dreg:$0x8] =	wrdreg s21;
	s22 =	sadd.s32 s2, s20;
	s23 =	sadd.s32 s6, s20  }
0x10: {  	s9 =	sadd.s32 s7, s20;
	s25 =	sadd.s32 s2, s24;
	s13 =	sadd.s32 s6, s24  }
0x11: {  	s14 =	sadd.s32 s7, s24;
	s15 =	sadd.s32 s2, s26;
	s16 =	sadd.s32 s6, s26  }
0x12: {  	s17 =	sadd.s32 s7, s26;
	s19 =	smax.u32 s0, $0x1;
	s20 =	simm.s32 $0x2  }
0x13: {  	s21 =	simm.s32 $0x200;
	s24 =	simm.s32 $0x280;
	[dreg:$0x9] =	wrdreg s22  }
0x14: {  	s26 =	simm.s32 $0x100;
	s0 =	simm.s32 $0x580;
	[dreg:$0xa] =	wrdreg s23  }
0x15: {  	s2 =	simm.s32 $0x600;
	s6 =	simm.s32 $0x8600;
	[dreg:$0xb] =	wrdreg s9  }
0x16: {  	v0 =	vlaneseq.u32;
	s7 =	simm.s32 $0x10600;
	[dreg:$0xc] =	wrdreg s25;
	s22 =	simm.s32 $0x400  }
0x17: {  	v0 =	vmul.u32 $0x40, v0;
	s23 =	simm.s32 $0x80;
	s25 =	simm.s32 $0x480;
	s9 =	simm.s32 $0x0  }
.LBB2_1:
0x18: {  	s10 =	rddreg [dreg:$0x6]  }
0x19: {  	[tilespmem:s1], [sflag:$0x2] =	stream.linear.gather [hbm4b:s10+s1], $0x80, $0x38;
	[tilespmem:$0x18800] =	vst v63  }
0x1a: {  	_ =	swait.ge [sflag:s20], $0x80  }
0x1b: {  	[sflag:s20] =	ssyncset.done $0x0  }
0x1c: {  	s12 =	rddreg [dreg:$0x7];
	[sflag:s20] =	ssyncadd.s32 $0xFFFFFF80  }
0x1d: {  	[tilespmem:s21], [sflag:$0x2] =	stream.linear.gather [hbm4b:s12+s1], $0x80, $0x38;
	[tilespmem:$0x18800] =	vst v63  }
0x1e: {  	_ =	swait.ge [sflag:s20], $0x80  }
0x1f: {  	[sflag:s20] =	ssyncset.done $0x0  }
0x20: {  	s11 =	rddreg [dreg:$0x8];
	[sflag:s20] =	ssyncadd.s32 $0xFFFFFF80  }
0x21: {  	[tilespmem:s22], [sflag:$0x2] =	stream.linear.gather [hbm4b:s11+s1], $0x80, $0x38;
	[tilespmem:$0x18800] =	vst v63  }
0x22: {  	_ =	swait.ge [sflag:s20], $0x80  }
0x23: {  	[sflag:s20] =	ssyncset.done $0x0  }
0x24: {  	s12 =	rddreg [dreg:$0x9];
	[sflag:s20] =	ssyncadd.s32 $0xFFFFFF80  }
0x25: {  	[tilespmem:s23], [sflag:$0x2] =	stream.linear.gather [hbm4b:s12+s1], $0x80, $0x38;
	[tilespmem:$0x18800] =	vst v63  }
0x26: {  	_ =	swait.ge [sflag:s20], $0x80  }
0x27: {  	[sflag:s20] =	ssyncset.done $0x0  }
0x28: {  	s11 =	rddreg [dreg:$0xa];
	[sflag:s20] =	ssyncadd.s32 $0xFFFFFF80  }
0x29: {  	[tilespmem:s24], [sflag:$0x2] =	stream.linear.gather [hbm4b:s11+s1], $0x80, $0x38;
	[tilespmem:$0x18800] =	vst v63  }
0x2a: {  	_ =	swait.ge [sflag:s20], $0x80  }
0x2b: {  	[sflag:s20] =	ssyncset.done $0x0  }
0x2c: {  	s12 =	rddreg [dreg:$0xb];
	[sflag:s20] =	ssyncadd.s32 $0xFFFFFF80  }
0x2d: {  	[tilespmem:s25], [sflag:$0x2] =	stream.linear.gather [hbm4b:s12+s1], $0x80, $0x38;
	[tilespmem:$0x18800] =	vst v63  }
0x2e: {  	_ =	swait.ge [sflag:s20], $0x80  }
0x2f: {  	[sflag:s20] =	ssyncset.done $0x0  }
0x30: {  	s11 =	rddreg [dreg:$0xc];
	[sflag:s20] =	ssyncadd.s32 $0xFFFFFF80  }
0x31: {  	[tilespmem:s26], [sflag:$0x2] =	stream.linear.gather [hbm4b:s11+s1], $0x80, $0x38;
	[tilespmem:$0x18800] =	vst v63  }
0x32: {  	_ =	swait.ge [sflag:s20], $0x80  }
0x33: {  	[sflag:s20] =	ssyncset.done $0x0  }
0x34: {  	[sflag:s20] =	ssyncadd.s32 $0xFFFFFF80  }
0x35: {  	[tilespmem:s28], [sflag:$0x2] =	stream.linear.gather [hbm4b:s13+s1], $0x80, $0x38;
	[tilespmem:$0x18800] =	vst v63  }
0x36: {  	_ =	swait.ge [sflag:s20], $0x80  }
0x37: {  	[sflag:s20] =	ssyncset.done $0x0  }
0x38: {  	[sflag:s20] =	ssyncadd.s32 $0xFFFFFF80  }
0x39: {  	[tilespmem:s29], [sflag:$0x2] =	stream.linear.gather [hbm4b:s14+s1], $0x80, $0x38;
	[tilespmem:$0x18800] =	vst v63  }
0x3a: {  	_ =	swait.ge [sflag:s20], $0x80  }
0x3b: {  	[sflag:s20] =	ssyncset.done $0x0  }
0x3c: {  	[sflag:s20] =	ssyncadd.s32 $0xFFFFFF80  }
0x3d: {  	[tilespmem:s30], [sflag:$0x2] =	stream.linear.gather [hbm4b:s15+s1], $0x80, $0x38;
	[tilespmem:$0x18800] =	vst v63  }
0x3e: {  	_ =	swait.ge [sflag:s20], $0x80  }
0x3f: {  	[sflag:s20] =	ssyncset.done $0x0  }
0x40: {  	[sflag:s20] =	ssyncadd.s32 $0xFFFFFF80  }
0x41: {  	[tilespmem:s31], [sflag:$0x2] =	stream.linear.gather [hbm4b:s16+s1], $0x80, $0x38;
	[tilespmem:$0x18800] =	vst v63  }
0x42: {  	_ =	swait.ge [sflag:s20], $0x80  }
0x43: {  	[sflag:s20] =	ssyncset.done $0x0  }
0x44: {  	[sflag:s20] =	ssyncadd.s32 $0xFFFFFF80  }
0x45: {  	[tilespmem:s0], [sflag:$0x2] =	stream.linear.gather [hbm4b:s17+s1], $0x80, $0x38;
	[tilespmem:$0x18800] =	vst v63  }
0x46: {  	_ =	swait.ge [sflag:s20], $0x80  }
0x47: {  	[sflag:s20] =	ssyncset.done $0x0  }
0x48: {  	[sflag:s20] =	ssyncadd.s32 $0xFFFFFF80  }
0x49: {  	[tilespmem:s2], [sflag:$0x1] =	stream.indirect.gather [hbm4b:s3+s23], $0x40, s1, s23, $0xb8;
	[tilespmem:$0x18800] =	vst v63  }
0x4a: {  	_ = 	snop  }
0x4b: {  	[tilespmem:s6], [sflag:$0x1] =	stream.indirect.gather [hbm4b:s5+s23], $0x40, s21, s23, $0xb8;
	[tilespmem:$0x18800] =	vst v63  }
0x4c: {  	_ = 	snop  }
0x4d: {  	[tilespmem:s7], [sflag:$0x1] =	stream.indirect.gather [hbm4b:s4+s23], $0x40, s22, s23, $0xb8;
	[tilespmem:$0x18800] =	vst v63  }
0x4e: {  	s12 =	simm.s32 $0x2600  }
0x4f: {  	[tilespmem:s12], [sflag:$0x1] =	stream.indirect.gather [hbm4b:s3+s23], $0x40, s23, s23, $0xb8;
	[tilespmem:$0x18800] =	vst v63  }
0x50: {  	s11 =	simm.s32 $0xA600  }
0x51: {  	[tilespmem:s11], [sflag:$0x1] =	stream.indirect.gather [hbm4b:s5+s23], $0x40, s24, s23, $0xb8;
	[tilespmem:$0x18800] =	vst v63  }
0x52: {  	s12 =	simm.s32 $0x12600  }
0x53: {  	[tilespmem:s12], [sflag:$0x1] =	stream.indirect.gather [hbm4b:s4+s23], $0x40, s25, s23, $0xb8;
	[tilespmem:$0x18800] =	vst v63  }
0x54: {  	s11 =	simm.s32 $0x4600  }
0x55: {  	[tilespmem:s11], [sflag:$0x1] =	stream.indirect.gather [hbm4b:s3+s23], $0x40, s26, s23, $0xb8;
	[tilespmem:$0x18800] =	vst v63  }
0x56: {  	s12 =	simm.s32 $0xC600  }
0x57: {  	[tilespmem:s12], [sflag:$0x1] =	stream.indirect.gather [hbm4b:s5+s23], $0x40, s28, s23, $0xb8;
	[tilespmem:$0x18800] =	vst v63  }
0x58: {  	s11 =	simm.s32 $0x14600  }
0x59: {  	[tilespmem:s11], [sflag:$0x1] =	stream.indirect.gather [hbm4b:s4+s23], $0x40, s29, s23, $0xb8;
	[tilespmem:$0x18800] =	vst v63  }
0x5a: {  	s12 =	simm.s32 $0x6600  }
0x5b: {  	[tilespmem:s12], [sflag:$0x1] =	stream.indirect.gather [hbm4b:s3+s23], $0x40, s30, s23, $0xb8;
	[tilespmem:$0x18800] =	vst v63  }
0x5c: {  	s11 =	simm.s32 $0xE600  }
0x5d: {  	[tilespmem:s11], [sflag:$0x1] =	stream.indirect.gather [hbm4b:s5+s23], $0x40, s31, s23, $0xb8;
	[tilespmem:$0x18800] =	vst v63  }
0x5e: {  	s12 =	simm.s32 $0x16600  }
0x5f: {  	[tilespmem:s12], [sflag:$0x1] =	stream.indirect.gather [hbm4b:s4+s23], $0x40, s0, s23, $0xb8;
	[tilespmem:$0x18800] =	vst v63  }
0x60: {  	_ =	swait.ge [sflag:s8], $0x2000  }
0x61: {  	[sflag:s8] =	ssyncset.done $0x0  }
0x62: {  	[sflag:s8] =	ssyncadd.s32 $0xFFFFE000  }
0x63: {  	_ =	swait.ge [sflag:s8], $0x2000  }
0x64: {  	[sflag:s8] =	ssyncset.done $0x0  }
0x65: {  	[sflag:s8] =	ssyncadd.s32 $0xFFFFE000  }
0x66: {  	_ =	swait.ge [sflag:s8], $0x2000  }
0x67: {  	[sflag:s8] =	ssyncset.done $0x0  }
0x68: {  	[sflag:s8] =	ssyncadd.s32 $0xFFFFE000  }
0x69: {  	_ =	swait.ge [sflag:s8], $0x2000  }
0x6a: {  	[sflag:s8] =	ssyncset.done $0x0  }
0x6b: {  	[sflag:s8] =	ssyncadd.s32 $0xFFFFE000  }
0x6c: {  	_ =	swait.ge [sflag:s8], $0x2000  }
0x6d: {  	[sflag:s8] =	ssyncset.done $0x0  }
0x6e: {  	[sflag:s8] =	ssyncadd.s32 $0xFFFFE000  }
0x6f: {  	_ =	swait.ge [sflag:s8], $0x2000  }
0x70: {  	[sflag:s8] =	ssyncset.done $0x0  }
0x71: {  	[sflag:s8] =	ssyncadd.s32 $0xFFFFE000  }
0x72: {  	_ =	swait.ge [sflag:s8], $0x2000  }
0x73: {  	[sflag:s8] =	ssyncset.done $0x0  }
0x74: {  	[sflag:s8] =	ssyncadd.s32 $0xFFFFE000  }
0x75: {  	_ =	swait.ge [sflag:s8], $0x2000  }
0x76: {  	[sflag:s8] =	ssyncset.done $0x0  }
0x77: {  	[sflag:s8] =	ssyncadd.s32 $0xFFFFE000  }
0x78: {  	_ =	swait.ge [sflag:s8], $0x2000  }
0x79: {  	[sflag:s8] =	ssyncset.done $0x0  }
0x7a: {  	[sflag:s8] =	ssyncadd.s32 $0xFFFFE000  }
0x7b: {  	_ =	swait.ge [sflag:s8], $0x2000  }
0x7c: {  	[sflag:s8] =	ssyncset.done $0x0  }
0x7d: {  	[sflag:s8] =	ssyncadd.s32 $0xFFFFE000  }
0x7e: {  	_ =	swait.ge [sflag:s8], $0x2000  }
0x7f: {  	[sflag:s8] =	ssyncset.done $0x0  }
0x80: {  	[sflag:s8] =	ssyncadd.s32 $0xFFFFE000  }
0x81: {  	_ =	swait.ge [sflag:s8], $0x2000  }
0x82: {  	[sflag:s8] =	ssyncset.done $0x0  }
0x83: {  	s10 =	simm.s32 $0x0;
	[sflag:s8] =	ssyncadd.s32 $0xFFFFE000  }
.LBB2_2:
0x84: {  	s12 =	simm.s32 $0x0  }
0x85: {  	s11 =	sshll.u32 s10, $0x4;
	v1 =	vmov s12  }
0x86: {  	v2 =	vmov s11;
	v1 =	vand.u32 $0x3F, v1  }
0x87: {  	v2 =	vshll.u32 v2, $0x6;
	v3 =	vbroadcast v1, $0x0  }
0x88: {  	v1 =	vor.u32 v0, v2  }
0x89: {  	s12 =	simm.s32 $0x1;
	v2 =	vor.u32 v1, v3  }
0x8a: {  	v3 =	vmov s12  }
0x8b: {  	v3 =	vand.u32 $0x3F, v3  }
0x8c: {  	v3 =	vbroadcast v3, $0x0;
	_ =	sdelay $0x1  }
0x8d: {  	v3 =	vor.u32 v1, v3;
	v8 =	vld.idx.msk [tilespmem:v2+s2+$0x0], $0xffff  }
0x8e: {  	s12 =	simm.s32 $0x2;
	v9 =	vld.idx.msk [tilespmem:v2+s6+$0x0], $0xffff  }
0x8f: {  	v4 =	vmov s12  }
0x90: {  	v5 =	vand.u32 $0x3F, v4;
	v4 =	vld.idx.msk [tilespmem:v2+s7+$0x0], $0xffff  }
0x91: {  	v6 =	vbroadcast v5, $0x0  }
0x92: {  	v5 =	vld.idx.msk [tilespmem:v3+s2+$0x0], $0xffff  }
0x93: {  	s12 =	simm.s32 $0x3;
	v2 =	vimm.f32 $0.0e+00;
	v7 =	vor.u32 v1, v6;
	v6 =	vld.idx.msk [tilespmem:v3+s6+$0x0], $0xffff;
	v8 =	vadd.f32 v9, v8  }
.LBB2_3:
0x94: {  	p0 =	sne.s32 s12, $0x3F  }
.Ltmp0:
0x95: {  	v9 =	vmov s12;
	v11 =	vsub.f32 v8, v4;
	v4 =	vld.idx.msk [tilespmem:v3+s7+$0x0], $0xffff;
	v3 =	vmov v7;
	(pc) =	sbr.rel @p0 .LBB2_3-.Ltmp0, $4  }
0x96: {  	s12 =	sadd.s32 $0x1, s12;
	v9 =	vand.u32 $0x3F, v9  }
0x97: {  	v9 =	vbroadcast v9, $0x0;
	v10 =	vand.u32 $0x7FFFFFFF, v11  }
0x98: {  	v8 =	vmov v5;
	v2 =	vadd.f32 v10, v2;
	v5 =	vld.idx.msk [tilespmem:v7+s2+$0x0], $0xffff  }
0x99: {  	v8 =	vadd.f32 v6, v8;
	v6 =	vld.idx.msk [tilespmem:v7+s6+$0x0], $0xffff;
	v7 =	vor.u32 v1, v9  }
0x9a: {  	_ =	sdelay $0x3  }
0x9b: {  	v1 =	vld.idx.msk [tilespmem:v3+s7+$0x0], $0xffff  }
0x9c: {  	v3 =	vld.idx.msk [tilespmem:v7+s2+$0x0], $0xffff  }
0x9d: {  	v9 =	vld.idx.msk [tilespmem:v7+s6+$0x0], $0xffff;
	_ =	sdelay $0x1  }
0x9e: {  	v63 =	vld.idx.msk [tilespmem:v7+s7+$0x0], $0xffff  }
0x9f: {  	v4 =	vsub.f32 v8, v4;
	v5 =	vadd.f32 v6, v5;
	_ =	sdelay $0x1  }
0xa0: {  	v4 =	vand.u32 $0x7FFFFFFF, v4;
	v3 =	vadd.f32 v9, v3;
	v1 =	vsub.f32 v5, v1  }
0xa1: {  	v2 =	vadd.f32 v4, v2  }
0xa2: {  	v3 =	vsub.f32 v3, v63;
	v1 =	vand.u32 $0x7FFFFFFF, v1  }
0xa3: {  	s10 =	sadd.s32 $0x1, s10;
	v1 =	vadd.f32 v1, v2  }
0xa4: {  	p0 =	sne.s32 s10, $0x20;
	v2 =	vand.u32 $0x7FFFFFFF, v3  }
.Ltmp1:
0xa5: {  	v1 =	vadd.f32 v2, v1;
	(pc) =	sbr.rel @p0 .LBB2_2-.Ltmp1, $3  }
0xa6: {  	_ = 	snop  }
0xa7: {  	v1 =	vsub.f32 $0.0e+00, v1;
	_ =	sdelay $0x1  }
0xa8: {  	[tilespmem:s11+$0x18600] =	vst v1  }
0xa9: {  	s9 =	sadd.s32 $0x1, s9  }
0xaa: {  	p0 =	sne.s32 s9, s19  }
.Ltmp2:
0xab: {  	s10 =	simm.s32 $0x18600;
	(pc) =	sbr.rel @p0 .LBB2_1-.Ltmp2, $4  }
0xac: {  	[hbm4b:s18+s1] =	stream.linear.scatter [tilespmem:s10], [sflag:$0x2], $0x200, $0x38;
	[tilespmem:$0x18800] =	vst v63  }
0xad: {  	_ =	swait.ge [sflag:s20], $0x200  }
0xae: {  	[sflag:s20] =	ssyncset.done $0x0  }
0xaf: {  	[sflag:s20] =	ssyncadd.s32 $0xFFFFFE00  }
0xb0: {  	_ =	sfence.sel $0x180000  }
0xb1: {  	[bflag:$0x0] =	sbarrier.arrive $0xFFFF  }
0xb2: {  	_ =	strace $0x90000047  }
0xb3: {  	s0 =	stileid.u32;
	[bflag:$0x2] =	sbarrier.arrive $0xFFFF  }
0xb4: {  	p0 =	sne.s32 s0, $0x0;
	s0 =	rddreg [dreg:$0x5]  }
0xb5: {  	s0 =	sadd.s32 @!p0 $0x100000, s0  }
0xb6: {  	[sflag:s0] =	ssyncadd.tile.s32 @!p0 $0x1;
	_ =	shalt  }
.Lfunc_end2:
_tile_overlayer_lowered:
.L_overlay_start_2:
0xb7: {  	(tag) =	ssettag $0x2  }
0xb8: {  	s0 =	rddreg [dreg:$0x0];
	s2 =	stileid.u32  }
0xb9: {  	s1 =	rddreg [dreg:$0x1];
	p0 =	sne.s32 s2, $0x0  }
0xba: {  	s3 =	rddreg [dreg:$0x2];
	[bflag:$0x3] =	sbarrier.arrive $0xFFFF;
	s2 =	simm.s32 @!p0 $0x1C02  }
0xbb: {  	[timem:s3], [sflag:s2] =	dma.local @!p0 [hbm:s0], s1  }
0xbc: {  	s0 =	simm.s32 @!p0 $0x2  }
0xbd: {  	_ =	swait.ge @!p0 [sflag:s0], s1  }
0xbe: {  	s1 =	ssub.s32 @!p0 $0x0, s1;
	[sflag:s0] =	ssyncset.done @!p0 $0x0  }
0xbf: {  	[sflag:s0] =	ssyncadd.s32 @!p0 s1  }
0xc0: {  	[bflag:$0x3] =	sbarrier.arrive $0xFFFF  }
0xc1: {  	_ =	shalt  }

</sc_bundles>
